<compile_context>
chip_gen: v7x
topology: tpu7x:2x2x1
jax: 0.10.2.dev20260603
libtpu: 0.0.44.dev20260713+nightly
codegen_flags: <defaults>
</compile_context>

<pallas_src>
import functools

import jax
import jax.numpy as jnp
from jax import lax
from jax.experimental import pallas as pl
from jax.experimental.pallas import tpu as pltpu
from jax.experimental.pallas import tpu_sc as plsc

_NC, _NS = 2, 16
_NW = _NC * _NS
_D = 64
_SEG = 128
_RING = 8


def _gather_body(n_streams, ids_hbm, table_hbm, out_hbm, idx_v, rows_v, *sems):
    gsem = sems[:_RING]
    osem = sems[_RING:]
    wid = lax.axis_index("s") * _NC + lax.axis_index("c")
    n_rounds = n_streams // _RING

    def fire_gather(b, s):
        return pltpu.async_copy(table_hbm.at[idx_v.at[s]], rows_v.at[b], gsem[b])

    def wait_gather(b, s):
        pltpu.make_async_copy(table_hbm.at[idx_v.at[s]], rows_v.at[b], gsem[b]).wait()

    def fire_wb(b, s):
        return pltpu.async_copy(rows_v.at[b], out_hbm.at[wid, s], osem[b])

    def wait_wb(b, s):
        pltpu.make_async_copy(rows_v.at[b], out_hbm.at[wid, s], osem[b]).wait()

    pltpu.sync_copy(ids_hbm.at[wid], idx_v)

    for b in range(_RING):
        fire_gather(b, b)

    def round_body(r, carry):
        for b in range(_RING):
            s = r * _RING + b
            wait_gather(b, s)
            fire_wb(b, s)
        for b in range(_RING):
            s = r * _RING + b
            wait_wb(b, s)
            fire_gather(b, s + _RING)
        return carry

    lax.fori_loop(0, n_rounds - 1, round_body, 0)

    r = n_rounds - 1
    for b in range(_RING):
        s = r * _RING + b
        wait_gather(b, s)
        fire_wb(b, s)
    for b in range(_RING):
        wait_wb(b, r * _RING + b)


def _sc_gather(ids_r, table, n_streams):
    kfn = functools.partial(
        pl.kernel,
        mesh=plsc.VectorSubcoreMesh(core_axis_name="c", subcore_axis_name="s"),
        out_type=jax.ShapeDtypeStruct((_NW, n_streams, _SEG, _D), jnp.float32),
        scratch_types=[
            pltpu.VMEM((n_streams, _SEG), jnp.int32),
            pltpu.VMEM((_RING, _SEG, _D), jnp.float32),
        ] + [pltpu.SemaphoreType.DMA] * (2 * _RING),
        compiler_params=pltpu.CompilerParams(use_tc_tiling_on_sc=False),
    )(functools.partial(_gather_body, n_streams))
    return kfn(ids_r, table)


def _mask_body(ids_ref, mask_ref):
    mask_ref[...] = ids_ref[...] != 0


def _tc_mask(ids):
    return pl.pallas_call(
        _mask_body,
        out_shape=jax.ShapeDtypeStruct(ids.shape, jnp.bool_),
    )(ids)


def kernel(ids, table):
    b, t = ids.shape
    total = b * t
    n_streams = total // (_NW * _SEG)
    assert n_streams * _NW * _SEG == total and n_streams % _RING == 0
    ids_r = ids.reshape(_NW, n_streams, _SEG)
    tokens = _sc_gather(ids_r, table, n_streams).reshape(b, t, _D)
    mask = _tc_mask(ids)
    return tokens, mask

# --- scband reference (transcript-rebuilt; emitter-appended) ---
"""Pipeline reference for scband-hash-text-encoder-15899968930099 (READ-ONLY COPY).

The authoritative reference and input builder live on the scoring server;
editing this copy changes nothing except your own understanding.
"""

import jax, jax.numpy as jnp
import numpy as np

VOCAB = 1000000
DIM = 64
BATCH = 4096
MAXLEN = 200
PAD_ID = 0

def setup_inputs(seed: int = 0) -> dict:
    key = jax.random.key(seed)
    k_ids, k_tab = jax.random.split(key)
    ids = jax.random.randint(k_ids, (BATCH, MAXLEN), 0, VOCAB, dtype=jnp.int64 if jax.config.jax_enable_x64 else jnp.int32)
    table = jax.random.normal(k_tab, (VOCAB, DIM), dtype=jnp.float32)
    return {"ids": ids, "table": table}

def reference(ids, table):
    # Faithful translation of HashTextEncoder.encode after tokenization/hashing:
    # tokens = embedding lookup; mask marks valid (non-pad) positions.
    tokens = jnp.take(table, ids, axis=0)  # (B, T, D)
    mask = ids != PAD_ID                    # (B, T) bool
    return (tokens, mask)

if __name__ == "__main__":
    import jax
    _d = setup_inputs()
    print(jax.jit(kernel)(*tuple(_d.values())))

</pallas_src>

<mosaic_0001>
#map = affine_map<(d0, d1) -> (0, 0, 0)>
#map1 = affine_map<(d0, d1) -> (0, 0)>
#map2 = affine_map<(d0, d1) -> (0, 0, 0, 0)>
module attributes {stable_mosaic.version = 14 : i64} {
  func.func @_gather_body(%arg0: i32, %arg1: i32, %arg2: memref<32x200x128xi32, #tpu.memory_space<hbm>>, %arg3: memref<1000000x64xf32, #tpu.memory_space<hbm>>, %arg4: memref<32x200x128x64xf32, #tpu.memory_space<hbm>>, %arg5: memref<200x128xi32, #tpu.memory_space<vmem>>, %arg6: memref<8x128x64xf32, #tpu.memory_space<vmem>>, %arg7: memref<!tpu.dma_semaphore, #tpu.memory_space<semaphore_mem>>, %arg8: memref<!tpu.dma_semaphore, #tpu.memory_space<semaphore_mem>>, %arg9: memref<!tpu.dma_semaphore, #tpu.memory_space<semaphore_mem>>, %arg10: memref<!tpu.dma_semaphore, #tpu.memory_space<semaphore_mem>>, %arg11: memref<!tpu.dma_semaphore, #tpu.memory_space<semaphore_mem>>, %arg12: memref<!tpu.dma_semaphore, #tpu.memory_space<semaphore_mem>>, %arg13: memref<!tpu.dma_semaphore, #tpu.memory_space<semaphore_mem>>, %arg14: memref<!tpu.dma_semaphore, #tpu.memory_space<semaphore_mem>>, %arg15: memref<!tpu.dma_semaphore, #tpu.memory_space<semaphore_mem>>, %arg16: memref<!tpu.dma_semaphore, #tpu.memory_space<semaphore_mem>>, %arg17: memref<!tpu.dma_semaphore, #tpu.memory_space<semaphore_mem>>, %arg18: memref<!tpu.dma_semaphore, #tpu.memory_space<semaphore_mem>>, %arg19: memref<!tpu.dma_semaphore, #tpu.memory_space<semaphore_mem>>, %arg20: memref<!tpu.dma_semaphore, #tpu.memory_space<semaphore_mem>>, %arg21: memref<!tpu.dma_semaphore, #tpu.memory_space<semaphore_mem>>, %arg22: memref<!tpu.dma_semaphore, #tpu.memory_space<semaphore_mem>>) attributes {dimension_semantics = [#tpu.dimension_semantics<core_parallel>, #tpu.dimension_semantics<subcore_parallel>], iteration_bounds = array<i64: 2, 16>, scalar_prefetch = 0 : i64, scratch_operands = 18 : i64, tpu.core_type = #tpu.core_type<sc_vector_subcore>, window_params = [{transform_indices = #map}, {transform_indices = #map1}, {transform_indices = #map2}]} {
    %mul3A = arith.constant 2 : i32
    %mul3A_0 = arith.muli %arg1, %mul3A : i32
    %add3A = arith.addi %mul3A_0, %arg0 : i32
    "tpu.region"() ({
      %run_scoped3A = tpu.sem_alloc : memref<!tpu.dma_semaphore, #tpu.memory_space<semaphore_mem>>
      %dma_start3A_484 = arith.constant 0 : i32
      %dma_start3A_485 = arith.constant 0 : i32
      %dma_start3A_486 = tpu.memref_slice %arg2[%add3A, %dma_start3A_484, %dma_start3A_485] : memref<32x200x128xi32, #tpu.memory_space<hbm>> -> memref<1x200x128xi32, #tpu.memory_space<hbm>>
      %dma_start3A_487 = tpu.memref_squeeze %dma_start3A_486 : memref<1x200x128xi32, #tpu.memory_space<hbm>> -> memref<200x128xi32, #tpu.memory_space<hbm>>
      %dma_start3A_488 = arith.constant 0 : i32
      %dma_start3A_489 = arith.constant 0 : i32
      %dma_start3A_490 = tpu.memref_slice %arg2[%add3A, %dma_start3A_488, %dma_start3A_489] : memref<32x200x128xi32, #tpu.memory_space<hbm>> -> memref<1x200x128xi32, #tpu.memory_space<hbm>>
      %dma_start3A_491 = tpu.memref_squeeze %dma_start3A_490 : memref<1x200x128xi32, #tpu.memory_space<hbm>> -> memref<200x128xi32, #tpu.memory_space<hbm>>
      tpu.enqueue_dma source(%dma_start3A_491 : memref<200x128xi32, #tpu.memory_space<hbm>>) target(%arg5 : memref<200x128xi32, #tpu.memory_space<vmem>>) target_semaphore(%run_scoped3A : memref<!tpu.dma_semaphore, #tpu.memory_space<semaphore_mem>>)
      %dma_wait3A_492 = arith.constant 0 : i32
      %dma_wait3A_493 = arith.constant 0 : i32
      %dma_wait3A_494 = tpu.memref_slice %arg2[%add3A, %dma_wait3A_492, %dma_wait3A_493] : memref<32x200x128xi32, #tpu.memory_space<hbm>> -> memref<1x200x128xi32, #tpu.memory_space<hbm>>
      %dma_wait3A_495 = tpu.memref_squeeze %dma_wait3A_494 : memref<1x200x128xi32, #tpu.memory_space<hbm>> -> memref<200x128xi32, #tpu.memory_space<hbm>>
      %dma_wait3A_496 = arith.constant 0 : i32
      %dma_wait3A_497 = arith.constant 0 : i32
      %dma_wait3A_498 = tpu.memref_slice %arg2[%add3A, %dma_wait3A_496, %dma_wait3A_497] : memref<32x200x128xi32, #tpu.memory_space<hbm>> -> memref<1x200x128xi32, #tpu.memory_space<hbm>>
      %dma_wait3A_499 = tpu.memref_squeeze %dma_wait3A_498 : memref<1x200x128xi32, #tpu.memory_space<hbm>> -> memref<200x128xi32, #tpu.memory_space<hbm>>
      tpu.wait_dma2 semaphore(%run_scoped3A : memref<!tpu.dma_semaphore, #tpu.memory_space<semaphore_mem>>) src(%dma_wait3A_499 : memref<200x128xi32, #tpu.memory_space<hbm>>) dst(%arg5 : memref<200x128xi32, #tpu.memory_space<vmem>>)
      tpu.yield
    }) : () -> ()
    %dma_start3A = arith.constant 0 : i32
    %dma_start3A_1 = arith.constant 0 : i32
    %dma_start3A_2 = arith.constant 0 : i32
    %dma_start3A_3 = arith.constant 0 : i32
    %dma_start3A_4 = tpu.memref_slice %arg6[%dma_start3A_1, %dma_start3A_2, %dma_start3A_3] : memref<8x128x64xf32, #tpu.memory_space<vmem>> -> memref<1x128x64xf32, #tpu.memory_space<vmem>>
    %dma_start3A_5 = tpu.memref_squeeze %dma_start3A_4 : memref<1x128x64xf32, #tpu.memory_space<vmem>> -> memref<128x64xf32, #tpu.memory_space<vmem>>
    %dma_start3A_6 = arith.constant 0 : i32
    %dma_start3A_7 = tpu.memref_slice %arg5[%dma_start3A, %dma_start3A_6] : memref<200x128xi32, #tpu.memory_space<vmem>> -> memref<1x128xi32, #tpu.memory_space<vmem>>
    %dma_start3A_8 = tpu.memref_squeeze %dma_start3A_7 : memref<1x128xi32, #tpu.memory_space<vmem>> -> memref<128xi32, #tpu.memory_space<vmem>>
    %dma_start3A_9 = arith.constant 0 : i32
    %dma_start3A_10 = arith.constant 0 : i32
    %dma_start3A_11 = tpu.memref_slice %arg3[%dma_start3A_9, %dma_start3A_10] : memref<1000000x64xf32, #tpu.memory_space<hbm>> -> memref<1000000x64xf32, #tpu.memory_space<hbm>>
    tpu.enqueue_indirect_dma source(%dma_start3A_11 : memref<1000000x64xf32, #tpu.memory_space<hbm>>) target(%dma_start3A_5 : memref<128x64xf32, #tpu.memory_space<vmem>>) offsets(%dma_start3A_8 : memref<128xi32, #tpu.memory_space<vmem>>) semaphore(%arg7 : memref<!tpu.dma_semaphore, #tpu.memory_space<semaphore_mem>>)
    %dma_start3A_12 = arith.constant 1 : i32
    %dma_start3A_13 = arith.constant 1 : i32
    %dma_start3A_14 = arith.constant 0 : i32
    %dma_start3A_15 = arith.constant 0 : i32
    %dma_start3A_16 = tpu.memref_slice %arg6[%dma_start3A_13, %dma_start3A_14, %dma_start3A_15] : memref<8x128x64xf32, #tpu.memory_space<vmem>> -> memref<1x128x64xf32, #tpu.memory_space<vmem>>
    %dma_start3A_17 = tpu.memref_squeeze %dma_start3A_16 : memref<1x128x64xf32, #tpu.memory_space<vmem>> -> memref<128x64xf32, #tpu.memory_space<vmem>>
    %dma_start3A_18 = arith.constant 0 : i32
    %dma_start3A_19 = tpu.memref_slice %arg5[%dma_start3A_12, %dma_start3A_18] : memref<200x128xi32, #tpu.memory_space<vmem>> -> memref<1x128xi32, #tpu.memory_space<vmem>>
    %dma_start3A_20 = tpu.memref_squeeze %dma_start3A_19 : memref<1x128xi32, #tpu.memory_space<vmem>> -> memref<128xi32, #tpu.memory_space<vmem>>
    %dma_start3A_21 = arith.constant 0 : i32
    %dma_start3A_22 = arith.constant 0 : i32
    %dma_start3A_23 = tpu.memref_slice %arg3[%dma_start3A_21, %dma_start3A_22] : memref<1000000x64xf32, #tpu.memory_space<hbm>> -> memref<1000000x64xf32, #tpu.memory_space<hbm>>
    tpu.enqueue_indirect_dma source(%dma_start3A_23 : memref<1000000x64xf32, #tpu.memory_space<hbm>>) target(%dma_start3A_17 : memref<128x64xf32, #tpu.memory_space<vmem>>) offsets(%dma_start3A_20 : memref<128xi32, #tpu.memory_space<vmem>>) semaphore(%arg8 : memref<!tpu.dma_semaphore, #tpu.memory_space<semaphore_mem>>)
    %dma_start3A_24 = arith.constant 2 : i32
    %dma_start3A_25 = arith.constant 2 : i32
    %dma_start3A_26 = arith.constant 0 : i32
    %dma_start3A_27 = arith.constant 0 : i32
    %dma_start3A_28 = tpu.memref_slice %arg6[%dma_start3A_25, %dma_start3A_26, %dma_start3A_27] : memref<8x128x64xf32, #tpu.memory_space<vmem>> -> memref<1x128x64xf32, #tpu.memory_space<vmem>>
    %dma_start3A_29 = tpu.memref_squeeze %dma_start3A_28 : memref<1x128x64xf32, #tpu.memory_space<vmem>> -> memref<128x64xf32, #tpu.memory_space<vmem>>
    %dma_start3A_30 = arith.constant 0 : i32
    %dma_start3A_31 = tpu.memref_slice %arg5[%dma_start3A_24, %dma_start3A_30] : memref<200x128xi32, #tpu.memory_space<vmem>> -> memref<1x128xi32, #tpu.memory_space<vmem>>
    %dma_start3A_32 = tpu.memref_squeeze %dma_start3A_31 : memref<1x128xi32, #tpu.memory_space<vmem>> -> memref<128xi32, #tpu.memory_space<vmem>>
    %dma_start3A_33 = arith.constant 0 : i32
    %dma_start3A_34 = arith.constant 0 : i32
    %dma_start3A_35 = tpu.memref_slice %arg3[%dma_start3A_33, %dma_start3A_34] : memref<1000000x64xf32, #tpu.memory_space<hbm>> -> memref<1000000x64xf32, #tpu.memory_space<hbm>>
    tpu.enqueue_indirect_dma source(%dma_start3A_35 : memref<1000000x64xf32, #tpu.memory_space<hbm>>) target(%dma_start3A_29 : memref<128x64xf32, #tpu.memory_space<vmem>>) offsets(%dma_start3A_32 : memref<128xi32, #tpu.memory_space<vmem>>) semaphore(%arg9 : memref<!tpu.dma_semaphore, #tpu.memory_space<semaphore_mem>>)
    %dma_start3A_36 = arith.constant 3 : i32
    %dma_start3A_37 = arith.constant 3 : i32
    %dma_start3A_38 = arith.constant 0 : i32
    %dma_start3A_39 = arith.constant 0 : i32
    %dma_start3A_40 = tpu.memref_slice %arg6[%dma_start3A_37, %dma_start3A_38, %dma_start3A_39] : memref<8x128x64xf32, #tpu.memory_space<vmem>> -> memref<1x128x64xf32, #tpu.memory_space<vmem>>
    %dma_start3A_41 = tpu.memref_squeeze %dma_start3A_40 : memref<1x128x64xf32, #tpu.memory_space<vmem>> -> memref<128x64xf32, #tpu.memory_space<vmem>>
    %dma_start3A_42 = arith.constant 0 : i32
    %dma_start3A_43 = tpu.memref_slice %arg5[%dma_start3A_36, %dma_start3A_42] : memref<200x128xi32, #tpu.memory_space<vmem>> -> memref<1x128xi32, #tpu.memory_space<vmem>>
    %dma_start3A_44 = tpu.memref_squeeze %dma_start3A_43 : memref<1x128xi32, #tpu.memory_space<vmem>> -> memref<128xi32, #tpu.memory_space<vmem>>
    %dma_start3A_45 = arith.constant 0 : i32
    %dma_start3A_46 = arith.constant 0 : i32
    %dma_start3A_47 = tpu.memref_slice %arg3[%dma_start3A_45, %dma_start3A_46] : memref<1000000x64xf32, #tpu.memory_space<hbm>> -> memref<1000000x64xf32, #tpu.memory_space<hbm>>
    tpu.enqueue_indirect_dma source(%dma_start3A_47 : memref<1000000x64xf32, #tpu.memory_space<hbm>>) target(%dma_start3A_41 : memref<128x64xf32, #tpu.memory_space<vmem>>) offsets(%dma_start3A_44 : memref<128xi32, #tpu.memory_space<vmem>>) semaphore(%arg10 : memref<!tpu.dma_semaphore, #tpu.memory_space<semaphore_mem>>)
    %dma_start3A_48 = arith.constant 4 : i32
    %dma_start3A_49 = arith.constant 4 : i32
    %dma_start3A_50 = arith.constant 0 : i32
    %dma_start3A_51 = arith.constant 0 : i32
    %dma_start3A_52 = tpu.memref_slice %arg6[%dma_start3A_49, %dma_start3A_50, %dma_start3A_51] : memref<8x128x64xf32, #tpu.memory_space<vmem>> -> memref<1x128x64xf32, #tpu.memory_space<vmem>>
    %dma_start3A_53 = tpu.memref_squeeze %dma_start3A_52 : memref<1x128x64xf32, #tpu.memory_space<vmem>> -> memref<128x64xf32, #tpu.memory_space<vmem>>
    %dma_start3A_54 = arith.constant 0 : i32
    %dma_start3A_55 = tpu.memref_slice %arg5[%dma_start3A_48, %dma_start3A_54] : memref<200x128xi32, #tpu.memory_space<vmem>> -> memref<1x128xi32, #tpu.memory_space<vmem>>
    %dma_start3A_56 = tpu.memref_squeeze %dma_start3A_55 : memref<1x128xi32, #tpu.memory_space<vmem>> -> memref<128xi32, #tpu.memory_space<vmem>>
    %dma_start3A_57 = arith.constant 0 : i32
    %dma_start3A_58 = arith.constant 0 : i32
    %dma_start3A_59 = tpu.memref_slice %arg3[%dma_start3A_57, %dma_start3A_58] : memref<1000000x64xf32, #tpu.memory_space<hbm>> -> memref<1000000x64xf32, #tpu.memory_space<hbm>>
    tpu.enqueue_indirect_dma source(%dma_start3A_59 : memref<1000000x64xf32, #tpu.memory_space<hbm>>) target(%dma_start3A_53 : memref<128x64xf32, #tpu.memory_space<vmem>>) offsets(%dma_start3A_56 : memref<128xi32, #tpu.memory_space<vmem>>) semaphore(%arg11 : memref<!tpu.dma_semaphore, #tpu.memory_space<semaphore_mem>>)
    %dma_start3A_60 = arith.constant 5 : i32
    %dma_start3A_61 = arith.constant 5 : i32
    %dma_start3A_62 = arith.constant 0 : i32
    %dma_start3A_63 = arith.constant 0 : i32
    %dma_start3A_64 = tpu.memref_slice %arg6[%dma_start3A_61, %dma_start3A_62, %dma_start3A_63] : memref<8x128x64xf32, #tpu.memory_space<vmem>> -> memref<1x128x64xf32, #tpu.memory_space<vmem>>
    %dma_start3A_65 = tpu.memref_squeeze %dma_start3A_64 : memref<1x128x64xf32, #tpu.memory_space<vmem>> -> memref<128x64xf32, #tpu.memory_space<vmem>>
    %dma_start3A_66 = arith.constant 0 : i32
    %dma_start3A_67 = tpu.memref_slice %arg5[%dma_start3A_60, %dma_start3A_66] : memref<200x128xi32, #tpu.memory_space<vmem>> -> memref<1x128xi32, #tpu.memory_space<vmem>>
    %dma_start3A_68 = tpu.memref_squeeze %dma_start3A_67 : memref<1x128xi32, #tpu.memory_space<vmem>> -> memref<128xi32, #tpu.memory_space<vmem>>
    %dma_start3A_69 = arith.constant 0 : i32
    %dma_start3A_70 = arith.constant 0 : i32
    %dma_start3A_71 = tpu.memref_slice %arg3[%dma_start3A_69, %dma_start3A_70] : memref<1000000x64xf32, #tpu.memory_space<hbm>> -> memref<1000000x64xf32, #tpu.memory_space<hbm>>
    tpu.enqueue_indirect_dma source(%dma_start3A_71 : memref<1000000x64xf32, #tpu.memory_space<hbm>>) target(%dma_start3A_65 : memref<128x64xf32, #tpu.memory_space<vmem>>) offsets(%dma_start3A_68 : memref<128xi32, #tpu.memory_space<vmem>>) semaphore(%arg12 : memref<!tpu.dma_semaphore, #tpu.memory_space<semaphore_mem>>)
    %dma_start3A_72 = arith.constant 6 : i32
    %dma_start3A_73 = arith.constant 6 : i32
    %dma_start3A_74 = arith.constant 0 : i32
    %dma_start3A_75 = arith.constant 0 : i32
    %dma_start3A_76 = tpu.memref_slice %arg6[%dma_start3A_73, %dma_start3A_74, %dma_start3A_75] : memref<8x128x64xf32, #tpu.memory_space<vmem>> -> memref<1x128x64xf32, #tpu.memory_space<vmem>>
    %dma_start3A_77 = tpu.memref_squeeze %dma_start3A_76 : memref<1x128x64xf32, #tpu.memory_space<vmem>> -> memref<128x64xf32, #tpu.memory_space<vmem>>
    %dma_start3A_78 = arith.constant 0 : i32
    %dma_start3A_79 = tpu.memref_slice %arg5[%dma_start3A_72, %dma_start3A_78] : memref<200x128xi32, #tpu.memory_space<vmem>> -> memref<1x128xi32, #tpu.memory_space<vmem>>
    %dma_start3A_80 = tpu.memref_squeeze %dma_start3A_79 : memref<1x128xi32, #tpu.memory_space<vmem>> -> memref<128xi32, #tpu.memory_space<vmem>>
    %dma_start3A_81 = arith.constant 0 : i32
    %dma_start3A_82 = arith.constant 0 : i32
    %dma_start3A_83 = tpu.memref_slice %arg3[%dma_start3A_81, %dma_start3A_82] : memref<1000000x64xf32, #tpu.memory_space<hbm>> -> memref<1000000x64xf32, #tpu.memory_space<hbm>>
    tpu.enqueue_indirect_dma source(%dma_start3A_83 : memref<1000000x64xf32, #tpu.memory_space<hbm>>) target(%dma_start3A_77 : memref<128x64xf32, #tpu.memory_space<vmem>>) offsets(%dma_start3A_80 : memref<128xi32, #tpu.memory_space<vmem>>) semaphore(%arg13 : memref<!tpu.dma_semaphore, #tpu.memory_space<semaphore_mem>>)
    %dma_start3A_84 = arith.constant 7 : i32
    %dma_start3A_85 = arith.constant 7 : i32
    %dma_start3A_86 = arith.constant 0 : i32
    %dma_start3A_87 = arith.constant 0 : i32
    %dma_start3A_88 = tpu.memref_slice %arg6[%dma_start3A_85, %dma_start3A_86, %dma_start3A_87] : memref<8x128x64xf32, #tpu.memory_space<vmem>> -> memref<1x128x64xf32, #tpu.memory_space<vmem>>
    %dma_start3A_89 = tpu.memref_squeeze %dma_start3A_88 : memref<1x128x64xf32, #tpu.memory_space<vmem>> -> memref<128x64xf32, #tpu.memory_space<vmem>>
    %dma_start3A_90 = arith.constant 0 : i32
    %dma_start3A_91 = tpu.memref_slice %arg5[%dma_start3A_84, %dma_start3A_90] : memref<200x128xi32, #tpu.memory_space<vmem>> -> memref<1x128xi32, #tpu.memory_space<vmem>>
    %dma_start3A_92 = tpu.memref_squeeze %dma_start3A_91 : memref<1x128xi32, #tpu.memory_space<vmem>> -> memref<128xi32, #tpu.memory_space<vmem>>
    %dma_start3A_93 = arith.constant 0 : i32
    %dma_start3A_94 = arith.constant 0 : i32
    %dma_start3A_95 = tpu.memref_slice %arg3[%dma_start3A_93, %dma_start3A_94] : memref<1000000x64xf32, #tpu.memory_space<hbm>> -> memref<1000000x64xf32, #tpu.memory_space<hbm>>
    tpu.enqueue_indirect_dma source(%dma_start3A_95 : memref<1000000x64xf32, #tpu.memory_space<hbm>>) target(%dma_start3A_89 : memref<128x64xf32, #tpu.memory_space<vmem>>) offsets(%dma_start3A_92 : memref<128xi32, #tpu.memory_space<vmem>>) semaphore(%arg14 : memref<!tpu.dma_semaphore, #tpu.memory_space<semaphore_mem>>)
    %scan3A = arith.constant 0 : i32
    %scan3A_96 = arith.constant 0 : i32
    %scan3A_97 = arith.constant 24 : i32
    %scan3A_98 = arith.addi %scan3A_96, %scan3A_97 : i32
    %scan3A_99 = arith.constant 1 : i32
    scf.for %scan3A_484 = %scan3A_96 to %scan3A_98 step %scan3A_99  : i32 {
      %mul3A_485 = arith.constant 8 : i32
      %mul3A_486 = arith.muli %scan3A_484, %mul3A_485 : i32
      %add3A_487 = arith.constant 0 : i32
      %add3A_488 = arith.addi %mul3A_486, %add3A_487 : i32
      %dma_wait3A_489 = arith.constant 0 : i32
      %dma_wait3A_490 = arith.constant 0 : i32
      %dma_wait3A_491 = arith.constant 0 : i32
      %dma_wait3A_492 = tpu.memref_slice %arg6[%dma_wait3A_489, %dma_wait3A_490, %dma_wait3A_491] : memref<8x128x64xf32, #tpu.memory_space<vmem>> -> memref<1x128x64xf32, #tpu.memory_space<vmem>>
      %dma_wait3A_493 = tpu.memref_squeeze %dma_wait3A_492 : memref<1x128x64xf32, #tpu.memory_space<vmem>> -> memref<128x64xf32, #tpu.memory_space<vmem>>
      %dma_wait3A_494 = arith.constant 0 : i32
      %dma_wait3A_495 = tpu.memref_slice %arg5[%add3A_488, %dma_wait3A_494] : memref<200x128xi32, #tpu.memory_space<vmem>> -> memref<1x128xi32, #tpu.memory_space<vmem>>
      %dma_wait3A_496 = tpu.memref_squeeze %dma_wait3A_495 : memref<1x128xi32, #tpu.memory_space<vmem>> -> memref<128xi32, #tpu.memory_space<vmem>>
      %dma_wait3A_497 = arith.constant 0 : i32
      %dma_wait3A_498 = arith.constant 0 : i32
      %dma_wait3A_499 = tpu.memref_slice %arg3[%dma_wait3A_497, %dma_wait3A_498] : memref<1000000x64xf32, #tpu.memory_space<hbm>> -> memref<1000000x64xf32, #tpu.memory_space<hbm>>
      tpu.wait_indirect_dma semaphore(%arg7 : memref<!tpu.dma_semaphore, #tpu.memory_space<semaphore_mem>>) src(%dma_wait3A_499 : memref<1000000x64xf32, #tpu.memory_space<hbm>>) dst(%dma_wait3A_493 : memref<128x64xf32, #tpu.memory_space<vmem>>)
      %dma_start3A_500 = arith.constant 0 : i32
      %dma_start3A_501 = arith.constant 0 : i32
      %dma_start3A_502 = arith.constant 0 : i32
      %dma_start3A_503 = tpu.memref_slice %arg6[%dma_start3A_500, %dma_start3A_501, %dma_start3A_502] : memref<8x128x64xf32, #tpu.memory_space<vmem>> -> memref<1x128x64xf32, #tpu.memory_space<vmem>>
      %dma_start3A_504 = tpu.memref_squeeze %dma_start3A_503 : memref<1x128x64xf32, #tpu.memory_space<vmem>> -> memref<128x64xf32, #tpu.memory_space<vmem>>
      %dma_start3A_505 = arith.constant 0 : i32
      %dma_start3A_506 = arith.constant 0 : i32
      %dma_start3A_507 = tpu.memref_slice %arg4[%add3A, %add3A_488, %dma_start3A_505, %dma_start3A_506] : memref<32x200x128x64xf32, #tpu.memory_space<hbm>> -> memref<1x1x128x64xf32, #tpu.memory_space<hbm>>
      %dma_start3A_508 = tpu.memref_squeeze %dma_start3A_507 : memref<1x1x128x64xf32, #tpu.memory_space<hbm>> -> memref<128x64xf32, #tpu.memory_space<hbm>>
      %dma_start3A_509 = arith.constant 0 : i32
      %dma_start3A_510 = arith.constant 0 : i32
      %dma_start3A_511 = tpu.memref_slice %arg4[%add3A, %add3A_488, %dma_start3A_509, %dma_start3A_510] : memref<32x200x128x64xf32, #tpu.memory_space<hbm>> -> memref<1x1x128x64xf32, #tpu.memory_space<hbm>>
      %dma_start3A_512 = tpu.memref_squeeze %dma_start3A_511 : memref<1x1x128x64xf32, #tpu.memory_space<hbm>> -> memref<128x64xf32, #tpu.memory_space<hbm>>
      %dma_start3A_513 = arith.constant 0 : i32
      %dma_start3A_514 = arith.constant 0 : i32
      %dma_start3A_515 = tpu.memref_slice %arg6[%dma_start3A_500, %dma_start3A_513, %dma_start3A_514] : memref<8x128x64xf32, #tpu.memory_space<vmem>> -> memref<1x128x64xf32, #tpu.memory_space<vmem>>
      %dma_start3A_516 = tpu.memref_squeeze %dma_start3A_515 : memref<1x128x64xf32, #tpu.memory_space<vmem>> -> memref<128x64xf32, #tpu.memory_space<vmem>>
      tpu.enqueue_dma source(%dma_start3A_516 : memref<128x64xf32, #tpu.memory_space<vmem>>) target(%dma_start3A_512 : memref<128x64xf32, #tpu.memory_space<hbm>>) target_semaphore(%arg15 : memref<!tpu.dma_semaphore, #tpu.memory_space<semaphore_mem>>)
      %mul3A_517 = arith.constant 8 : i32
      %mul3A_518 = arith.muli %scan3A_484, %mul3A_517 : i32
      %add3A_519 = arith.constant 1 : i32
      %add3A_520 = arith.addi %mul3A_518, %add3A_519 : i32
      %dma_wait3A_521 = arith.constant 1 : i32
      %dma_wait3A_522 = arith.constant 0 : i32
      %dma_wait3A_523 = arith.constant 0 : i32
      %dma_wait3A_524 = tpu.memref_slice %arg6[%dma_wait3A_521, %dma_wait3A_522, %dma_wait3A_523] : memref<8x128x64xf32, #tpu.memory_space<vmem>> -> memref<1x128x64xf32, #tpu.memory_space<vmem>>
      %dma_wait3A_525 = tpu.memref_squeeze %dma_wait3A_524 : memref<1x128x64xf32, #tpu.memory_space<vmem>> -> memref<128x64xf32, #tpu.memory_space<vmem>>
      %dma_wait3A_526 = arith.constant 0 : i32
      %dma_wait3A_527 = tpu.memref_slice %arg5[%add3A_520, %dma_wait3A_526] : memref<200x128xi32, #tpu.memory_space<vmem>> -> memref<1x128xi32, #tpu.memory_space<vmem>>
      %dma_wait3A_528 = tpu.memref_squeeze %dma_wait3A_527 : memref<1x128xi32, #tpu.memory_space<vmem>> -> memref<128xi32, #tpu.memory_space<vmem>>
      %dma_wait3A_529 = arith.constant 0 : i32
      %dma_wait3A_530 = arith.constant 0 : i32
      %dma_wait3A_531 = tpu.memref_slice %arg3[%dma_wait3A_529, %dma_wait3A_530] : memref<1000000x64xf32, #tpu.memory_space<hbm>> -> memref<1000000x64xf32, #tpu.memory_space<hbm>>
      tpu.wait_indirect_dma semaphore(%arg8 : memref<!tpu.dma_semaphore, #tpu.memory_space<semaphore_mem>>) src(%dma_wait3A_531 : memref<1000000x64xf32, #tpu.memory_space<hbm>>) dst(%dma_wait3A_525 : memref<128x64xf32, #tpu.memory_space<vmem>>)
      %dma_start3A_532 = arith.constant 1 : i32
      %dma_start3A_533 = arith.constant 0 : i32
      %dma_start3A_534 = arith.constant 0 : i32
      %dma_start3A_535 = tpu.memref_slice %arg6[%dma_start3A_532, %dma_start3A_533, %dma_start3A_534] : memref<8x128x64xf32, #tpu.memory_space<vmem>> -> memref<1x128x64xf32, #tpu.memory_space<vmem>>
      %dma_start3A_536 = tpu.memref_squeeze %dma_start3A_535 : memref<1x128x64xf32, #tpu.memory_space<vmem>> -> memref<128x64xf32, #tpu.memory_space<vmem>>
      %dma_start3A_537 = arith.constant 0 : i32
      %dma_start3A_538 = arith.constant 0 : i32
      %dma_start3A_539 = tpu.memref_slice %arg4[%add3A, %add3A_520, %dma_start3A_537, %dma_start3A_538] : memref<32x200x128x64xf32, #tpu.memory_space<hbm>> -> memref<1x1x128x64xf32, #tpu.memory_space<hbm>>
      %dma_start3A_540 = tpu.memref_squeeze %dma_start3A_539 : memref<1x1x128x64xf32, #tpu.memory_space<hbm>> -> memref<128x64xf32, #tpu.memory_space<hbm>>
      %dma_start3A_541 = arith.constant 0 : i32
      %dma_start3A_542 = arith.constant 0 : i32
      %dma_start3A_543 = tpu.memref_slice %arg4[%add3A, %add3A_520, %dma_start3A_541, %dma_start3A_542] : memref<32x200x128x64xf32, #tpu.memory_space<hbm>> -> memref<1x1x128x64xf32, #tpu.memory_space<hbm>>
      %dma_start3A_544 = tpu.memref_squeeze %dma_start3A_543 : memref<1x1x128x64xf32, #tpu.memory_space<hbm>> -> memref<128x64xf32, #tpu.memory_space<hbm>>
      %dma_start3A_545 = arith.constant 0 : i32
      %dma_start3A_546 = arith.constant 0 : i32
      %dma_start3A_547 = tpu.memref_slice %arg6[%dma_start3A_532, %dma_start3A_545, %dma_start3A_546] : memref<8x128x64xf32, #tpu.memory_space<vmem>> -> memref<1x128x64xf32, #tpu.memory_space<vmem>>
      %dma_start3A_548 = tpu.memref_squeeze %dma_start3A_547 : memref<1x128x64xf32, #tpu.memory_space<vmem>> -> memref<128x64xf32, #tpu.memory_space<vmem>>
      tpu.enqueue_dma source(%dma_start3A_548 : memref<128x64xf32, #tpu.memory_space<vmem>>) target(%dma_start3A_544 : memref<128x64xf32, #tpu.memory_space<hbm>>) target_semaphore(%arg16 : memref<!tpu.dma_semaphore, #tpu.memory_space<semaphore_mem>>)
      %mul3A_549 = arith.constant 8 : i32
      %mul3A_550 = arith.muli %scan3A_484, %mul3A_549 : i32
      %add3A_551 = arith.constant 2 : i32
      %add3A_552 = arith.addi %mul3A_550, %add3A_551 : i32
      %dma_wait3A_553 = arith.constant 2 : i32
      %dma_wait3A_554 = arith.constant 0 : i32
      %dma_wait3A_555 = arith.constant 0 : i32
      %dma_wait3A_556 = tpu.memref_slice %arg6[%dma_wait3A_553, %dma_wait3A_554, %dma_wait3A_555] : memref<8x128x64xf32, #tpu.memory_space<vmem>> -> memref<1x128x64xf32, #tpu.memory_space<vmem>>
      %dma_wait3A_557 = tpu.memref_squeeze %dma_wait3A_556 : memref<1x128x64xf32, #tpu.memory_space<vmem>> -> memref<128x64xf32, #tpu.memory_space<vmem>>
      %dma_wait3A_558 = arith.constant 0 : i32
      %dma_wait3A_559 = tpu.memref_slice %arg5[%add3A_552, %dma_wait3A_558] : memref<200x128xi32, #tpu.memory_space<vmem>> -> memref<1x128xi32, #tpu.memory_space<vmem>>
      %dma_wait3A_560 = tpu.memref_squeeze %dma_wait3A_559 : memref<1x128xi32, #tpu.memory_space<vmem>> -> memref<128xi32, #tpu.memory_space<vmem>>
      %dma_wait3A_561 = arith.constant 0 : i32
      %dma_wait3A_562 = arith.constant 0 : i32
      %dma_wait3A_563 = tpu.memref_slice %arg3[%dma_wait3A_561, %dma_wait3A_562] : memref<1000000x64xf32, #tpu.memory_space<hbm>> -> memref<1000000x64xf32, #tpu.memory_space<hbm>>
      tpu.wait_indirect_dma semaphore(%arg9 : memref<!tpu.dma_semaphore, #tpu.memory_space<semaphore_mem>>) src(%dma_wait3A_563 : memref<1000000x64xf32, #tpu.memory_space<hbm>>) dst(%dma_wait3A_557 : memref<128x64xf32, #tpu.memory_space<vmem>>)
      %dma_start3A_564 = arith.constant 2 : i32
      %dma_start3A_565 = arith.constant 0 : i32
      %dma_start3A_566 = arith.constant 0 : i32
      %dma_start3A_567 = tpu.memref_slice %arg6[%dma_start3A_564, %dma_start3A_565, %dma_start3A_566] : memref<8x128x64xf32, #tpu.memory_space<vmem>> -> memref<1x128x64xf32, #tpu.memory_space<vmem>>
      %dma_start3A_568 = tpu.memref_squeeze %dma_start3A_567 : memref<1x128x64xf32, #tpu.memory_space<vmem>> -> memref<128x64xf32, #tpu.memory_space<vmem>>
      %dma_start3A_569 = arith.constant 0 : i32
      %dma_start3A_570 = arith.constant 0 : i32
      %dma_start3A_571 = tpu.memref_slice %arg4[%add3A, %add3A_552, %dma_start3A_569, %dma_start3A_570] : memref<32x200x128x64xf32, #tpu.memory_space<hbm>> -> memref<1x1x128x64xf32, #tpu.memory_space<hbm>>
      %dma_start3A_572 = tpu.memref_squeeze %dma_start3A_571 : memref<1x1x128x64xf32, #tpu.memory_space<hbm>> -> memref<128x64xf32, #tpu.memory_space<hbm>>
      %dma_start3A_573 = arith.constant 0 : i32
      %dma_start3A_574 = arith.constant 0 : i32
      %dma_start3A_575 = tpu.memref_slice %arg4[%add3A, %add3A_552, %dma_start3A_573, %dma_start3A_574] : memref<32x200x128x64xf32, #tpu.memory_space<hbm>> -> memref<1x1x128x64xf32, #tpu.memory_space<hbm>>
      %dma_start3A_576 = tpu.memref_squeeze %dma_start3A_575 : memref<1x1x128x64xf32, #tpu.memory_space<hbm>> -> memref<128x64xf32, #tpu.memory_space<hbm>>
      %dma_start3A_577 = arith.constant 0 : i32
      %dma_start3A_578 = arith.constant 0 : i32
      %dma_start3A_579 = tpu.memref_slice %arg6[%dma_start3A_564, %dma_start3A_577, %dma_start3A_578] : memref<8x128x64xf32, #tpu.memory_space<vmem>> -> memref<1x128x64xf32, #tpu.memory_space<vmem>>
      %dma_start3A_580 = tpu.memref_squeeze %dma_start3A_579 : memref<1x128x64xf32, #tpu.memory_space<vmem>> -> memref<128x64xf32, #tpu.memory_space<vmem>>
      tpu.enqueue_dma source(%dma_start3A_580 : memref<128x64xf32, #tpu.memory_space<vmem>>) target(%dma_start3A_576 : memref<128x64xf32, #tpu.memory_space<hbm>>) target_semaphore(%arg17 : memref<!tpu.dma_semaphore, #tpu.memory_space<semaphore_mem>>)
      %mul3A_581 = arith.constant 8 : i32
      %mul3A_582 = arith.muli %scan3A_484, %mul3A_581 : i32
      %add3A_583 = arith.constant 3 : i32
      %add3A_584 = arith.addi %mul3A_582, %add3A_583 : i32
      %dma_wait3A_585 = arith.constant 3 : i32
      %dma_wait3A_586 = arith.constant 0 : i32
      %dma_wait3A_587 = arith.constant 0 : i32
      %dma_wait3A_588 = tpu.memref_slice %arg6[%dma_wait3A_585, %dma_wait3A_586, %dma_wait3A_587] : memref<8x128x64xf32, #tpu.memory_space<vmem>> -> memref<1x128x64xf32, #tpu.memory_space<vmem>>
      %dma_wait3A_589 = tpu.memref_squeeze %dma_wait3A_588 : memref<1x128x64xf32, #tpu.memory_space<vmem>> -> memref<128x64xf32, #tpu.memory_space<vmem>>
      %dma_wait3A_590 = arith.constant 0 : i32
      %dma_wait3A_591 = tpu.memref_slice %arg5[%add3A_584, %dma_wait3A_590] : memref<200x128xi32, #tpu.memory_space<vmem>> -> memref<1x128xi32, #tpu.memory_space<vmem>>
      %dma_wait3A_592 = tpu.memref_squeeze %dma_wait3A_591 : memref<1x128xi32, #tpu.memory_space<vmem>> -> memref<128xi32, #tpu.memory_space<vmem>>
      %dma_wait3A_593 = arith.constant 0 : i32
      %dma_wait3A_594 = arith.constant 0 : i32
      %dma_wait3A_595 = tpu.memref_slice %arg3[%dma_wait3A_593, %dma_wait3A_594] : memref<1000000x64xf32, #tpu.memory_space<hbm>> -> memref<1000000x64xf32, #tpu.memory_space<hbm>>
      tpu.wait_indirect_dma semaphore(%arg10 : memref<!tpu.dma_semaphore, #tpu.memory_space<semaphore_mem>>) src(%dma_wait3A_595 : memref<1000000x64xf32, #tpu.memory_space<hbm>>) dst(%dma_wait3A_589 : memref<128x64xf32, #tpu.memory_space<vmem>>)
      %dma_start3A_596 = arith.constant 3 : i32
      %dma_start3A_597 = arith.constant 0 : i32
      %dma_start3A_598 = arith.constant 0 : i32
      %dma_start3A_599 = tpu.memref_slice %arg6[%dma_start3A_596, %dma_start3A_597, %dma_start3A_598] : memref<8x128x64xf32, #tpu.memory_space<vmem>> -> memref<1x128x64xf32, #tpu.memory_space<vmem>>
      %dma_start3A_600 = tpu.memref_squeeze %dma_start3A_599 : memref<1x128x64xf32, #tpu.memory_space<vmem>> -> memref<128x64xf32, #tpu.memory_space<vmem>>
      %dma_start3A_601 = arith.constant 0 : i32
      %dma_start3A_602 = arith.constant 0 : i32
      %dma_start3A_603 = tpu.memref_slice %arg4[%add3A, %add3A_584, %dma_start3A_601, %dma_start3A_602] : memref<32x200x128x64xf32, #tpu.memory_space<hbm>> -> memref<1x1x128x64xf32, #tpu.memory_space<hbm>>
      %dma_start3A_604 = tpu.memref_squeeze %dma_start3A_603 : memref<1x1x128x64xf32, #tpu.memory_space<hbm>> -> memref<128x64xf32, #tpu.memory_space<hbm>>
      %dma_start3A_605 = arith.constant 0 : i32
      %dma_start3A_606 = arith.constant 0 : i32
      %dma_start3A_607 = tpu.memref_slice %arg4[%add3A, %add3A_584, %dma_start3A_605, %dma_start3A_606] : memref<32x200x128x64xf32, #tpu.memory_space<hbm>> -> memref<1x1x128x64xf32, #tpu.memory_space<hbm>>
      %dma_start3A_608 = tpu.memref_squeeze %dma_start3A_607 : memref<1x1x128x64xf32, #tpu.memory_space<hbm>> -> memref<128x64xf32, #tpu.memory_space<hbm>>
      %dma_start3A_609 = arith.constant 0 : i32
      %dma_start3A_610 = arith.constant 0 : i32
      %dma_start3A_611 = tpu.memref_slice %arg6[%dma_start3A_596, %dma_start3A_609, %dma_start3A_610] : memref<8x128x64xf32, #tpu.memory_space<vmem>> -> memref<1x128x64xf32, #tpu.memory_space<vmem>>
      %dma_start3A_612 = tpu.memref_squeeze %dma_start3A_611 : memref<1x128x64xf32, #tpu.memory_space<vmem>> -> memref<128x64xf32, #tpu.memory_space<vmem>>
      tpu.enqueue_dma source(%dma_start3A_612 : memref<128x64xf32, #tpu.memory_space<vmem>>) target(%dma_start3A_608 : memref<128x64xf32, #tpu.memory_space<hbm>>) target_semaphore(%arg18 : memref<!tpu.dma_semaphore, #tpu.memory_space<semaphore_mem>>)
      %mul3A_613 = arith.constant 8 : i32
      %mul3A_614 = arith.muli %scan3A_484, %mul3A_613 : i32
      %add3A_615 = arith.constant 4 : i32
      %add3A_616 = arith.addi %mul3A_614, %add3A_615 : i32
      %dma_wait3A_617 = arith.constant 4 : i32
      %dma_wait3A_618 = arith.constant 0 : i32
      %dma_wait3A_619 = arith.constant 0 : i32
      %dma_wait3A_620 = tpu.memref_slice %arg6[%dma_wait3A_617, %dma_wait3A_618, %dma_wait3A_619] : memref<8x128x64xf32, #tpu.memory_space<vmem>> -> memref<1x128x64xf32, #tpu.memory_space<vmem>>
      %dma_wait3A_621 = tpu.memref_squeeze %dma_wait3A_620 : memref<1x128x64xf32, #tpu.memory_space<vmem>> -> memref<128x64xf32, #tpu.memory_space<vmem>>
      %dma_wait3A_622 = arith.constant 0 : i32
      %dma_wait3A_623 = tpu.memref_slice %arg5[%add3A_616, %dma_wait3A_622] : memref<200x128xi32, #tpu.memory_space<vmem>> -> memref<1x128xi32, #tpu.memory_space<vmem>>
      %dma_wait3A_624 = tpu.memref_squeeze %dma_wait3A_623 : memref<1x128xi32, #tpu.memory_space<vmem>> -> memref<128xi32, #tpu.memory_space<vmem>>
      %dma_wait3A_625 = arith.constant 0 : i32
      %dma_wait3A_626 = arith.constant 0 : i32
      %dma_wait3A_627 = tpu.memref_slice %arg3[%dma_wait3A_625, %dma_wait3A_626] : memref<1000000x64xf32, #tpu.memory_space<hbm>> -> memref<1000000x64xf32, #tpu.memory_space<hbm>>
      tpu.wait_indirect_dma semaphore(%arg11 : memref<!tpu.dma_semaphore, #tpu.memory_space<semaphore_mem>>) src(%dma_wait3A_627 : memref<1000000x64xf32, #tpu.memory_space<hbm>>) dst(%dma_wait3A_621 : memref<128x64xf32, #tpu.memory_space<vmem>>)
      %dma_start3A_628 = arith.constant 4 : i32
      %dma_start3A_629 = arith.constant 0 : i32
      %dma_start3A_630 = arith.constant 0 : i32
      %dma_start3A_631 = tpu.memref_slice %arg6[%dma_start3A_628, %dma_start3A_629, %dma_start3A_630] : memref<8x128x64xf32, #tpu.memory_space<vmem>> -> memref<1x128x64xf32, #tpu.memory_space<vmem>>
      %dma_start3A_632 = tpu.memref_squeeze %dma_start3A_631 : memref<1x128x64xf32, #tpu.memory_space<vmem>> -> memref<128x64xf32, #tpu.memory_space<vmem>>
      %dma_start3A_633 = arith.constant 0 : i32
      %dma_start3A_634 = arith.constant 0 : i32
      %dma_start3A_635 = tpu.memref_slice %arg4[%add3A, %add3A_616, %dma_start3A_633, %dma_start3A_634] : memref<32x200x128x64xf32, #tpu.memory_space<hbm>> -> memref<1x1x128x64xf32, #tpu.memory_space<hbm>>
      %dma_start3A_636 = tpu.memref_squeeze %dma_start3A_635 : memref<1x1x128x64xf32, #tpu.memory_space<hbm>> -> memref<128x64xf32, #tpu.memory_space<hbm>>
      %dma_start3A_637 = arith.constant 0 : i32
      %dma_start3A_638 = arith.constant 0 : i32
      %dma_start3A_639 = tpu.memref_slice %arg4[%add3A, %add3A_616, %dma_start3A_637, %dma_start3A_638] : memref<32x200x128x64xf32, #tpu.memory_space<hbm>> -> memref<1x1x128x64xf32, #tpu.memory_space<hbm>>
      %dma_start3A_640 = tpu.memref_squeeze %dma_start3A_639 : memref<1x1x128x64xf32, #tpu.memory_space<hbm>> -> memref<128x64xf32, #tpu.memory_space<hbm>>
      %dma_start3A_641 = arith.constant 0 : i32
      %dma_start3A_642 = arith.constant 0 : i32
      %dma_start3A_643 = tpu.memref_slice %arg6[%dma_start3A_628, %dma_start3A_641, %dma_start3A_642] : memref<8x128x64xf32, #tpu.memory_space<vmem>> -> memref<1x128x64xf32, #tpu.memory_space<vmem>>
      %dma_start3A_644 = tpu.memref_squeeze %dma_start3A_643 : memref<1x128x64xf32, #tpu.memory_space<vmem>> -> memref<128x64xf32, #tpu.memory_space<vmem>>
      tpu.enqueue_dma source(%dma_start3A_644 : memref<128x64xf32, #tpu.memory_space<vmem>>) target(%dma_start3A_640 : memref<128x64xf32, #tpu.memory_space<hbm>>) target_semaphore(%arg19 : memref<!tpu.dma_semaphore, #tpu.memory_space<semaphore_mem>>)
      %mul3A_645 = arith.constant 8 : i32
      %mul3A_646 = arith.muli %scan3A_484, %mul3A_645 : i32
      %add3A_647 = arith.constant 5 : i32
      %add3A_648 = arith.addi %mul3A_646, %add3A_647 : i32
      %dma_wait3A_649 = arith.constant 5 : i32
      %dma_wait3A_650 = arith.constant 0 : i32
      %dma_wait3A_651 = arith.constant 0 : i32
      %dma_wait3A_652 = tpu.memref_slice %arg6[%dma_wait3A_649, %dma_wait3A_650, %dma_wait3A_651] : memref<8x128x64xf32, #tpu.memory_space<vmem>> -> memref<1x128x64xf32, #tpu.memory_space<vmem>>
      %dma_wait3A_653 = tpu.memref_squeeze %dma_wait3A_652 : memref<1x128x64xf32, #tpu.memory_space<vmem>> -> memref<128x64xf32, #tpu.memory_space<vmem>>
      %dma_wait3A_654 = arith.constant 0 : i32
      %dma_wait3A_655 = tpu.memref_slice %arg5[%add3A_648, %dma_wait3A_654] : memref<200x128xi32, #tpu.memory_space<vmem>> -> memref<1x128xi32, #tpu.memory_space<vmem>>
      %dma_wait3A_656 = tpu.memref_squeeze %dma_wait3A_655 : memref<1x128xi32, #tpu.memory_space<vmem>> -> memref<128xi32, #tpu.memory_space<vmem>>
      %dma_wait3A_657 = arith.constant 0 : i32
      %dma_wait3A_658 = arith.constant 0 : i32
      %dma_wait3A_659 = tpu.memref_slice %arg3[%dma_wait3A_657, %dma_wait3A_658] : memref<1000000x64xf32, #tpu.memory_space<hbm>> -> memref<1000000x64xf32, #tpu.memory_space<hbm>>
      tpu.wait_indirect_dma semaphore(%arg12 : memref<!tpu.dma_semaphore, #tpu.memory_space<semaphore_mem>>) src(%dma_wait3A_659 : memref<1000000x64xf32, #tpu.memory_space<hbm>>) dst(%dma_wait3A_653 : memref<128x64xf32, #tpu.memory_space<vmem>>)
      %dma_start3A_660 = arith.constant 5 : i32
      %dma_start3A_661 = arith.constant 0 : i32
      %dma_start3A_662 = arith.constant 0 : i32
      %dma_start3A_663 = tpu.memref_slice %arg6[%dma_start3A_660, %dma_start3A_661, %dma_start3A_662] : memref<8x128x64xf32, #tpu.memory_space<vmem>> -> memref<1x128x64xf32, #tpu.memory_space<vmem>>
      %dma_start3A_664 = tpu.memref_squeeze %dma_start3A_663 : memref<1x128x64xf32, #tpu.memory_space<vmem>> -> memref<128x64xf32, #tpu.memory_space<vmem>>
      %dma_start3A_665 = arith.constant 0 : i32
      %dma_start3A_666 = arith.constant 0 : i32
      %dma_start3A_667 = tpu.memref_slice %arg4[%add3A, %add3A_648, %dma_start3A_665, %dma_start3A_666] : memref<32x200x128x64xf32, #tpu.memory_space<hbm>> -> memref<1x1x128x64xf32, #tpu.memory_space<hbm>>
      %dma_start3A_668 = tpu.memref_squeeze %dma_start3A_667 : memref<1x1x128x64xf32, #tpu.memory_space<hbm>> -> memref<128x64xf32, #tpu.memory_space<hbm>>
      %dma_start3A_669 = arith.constant 0 : i32
      %dma_start3A_670 = arith.constant 0 : i32
      %dma_start3A_671 = tpu.memref_slice %arg4[%add3A, %add3A_648, %dma_start3A_669, %dma_start3A_670] : memref<32x200x128x64xf32, #tpu.memory_space<hbm>> -> memref<1x1x128x64xf32, #tpu.memory_space<hbm>>
      %dma_start3A_672 = tpu.memref_squeeze %dma_start3A_671 : memref<1x1x128x64xf32, #tpu.memory_space<hbm>> -> memref<128x64xf32, #tpu.memory_space<hbm>>
      %dma_start3A_673 = arith.constant 0 : i32
      %dma_start3A_674 = arith.constant 0 : i32
      %dma_start3A_675 = tpu.memref_slice %arg6[%dma_start3A_660, %dma_start3A_673, %dma_start3A_674] : memref<8x128x64xf32, #tpu.memory_space<vmem>> -> memref<1x128x64xf32, #tpu.memory_space<vmem>>
      %dma_start3A_676 = tpu.memref_squeeze %dma_start3A_675 : memref<1x128x64xf32, #tpu.memory_space<vmem>> -> memref<128x64xf32, #tpu.memory_space<vmem>>
      tpu.enqueue_dma source(%dma_start3A_676 : memref<128x64xf32, #tpu.memory_space<vmem>>) target(%dma_start3A_672 : memref<128x64xf32, #tpu.memory_space<hbm>>) target_semaphore(%arg20 : memref<!tpu.dma_semaphore, #tpu.memory_space<semaphore_mem>>)
      %mul3A_677 = arith.constant 8 : i32
      %mul3A_678 = arith.muli %scan3A_484, %mul3A_677 : i32
      %add3A_679 = arith.constant 6 : i32
      %add3A_680 = arith.addi %mul3A_678, %add3A_679 : i32
      %dma_wait3A_681 = arith.constant 6 : i32
      %dma_wait3A_682 = arith.constant 0 : i32
      %dma_wait3A_683 = arith.constant 0 : i32
      %dma_wait3A_684 = tpu.memref_slice %arg6[%dma_wait3A_681, %dma_wait3A_682, %dma_wait3A_683] : memref<8x128x64xf32, #tpu.memory_space<vmem>> -> memref<1x128x64xf32, #tpu.memory_space<vmem>>
      %dma_wait3A_685 = tpu.memref_squeeze %dma_wait3A_684 : memref<1x128x64xf32, #tpu.memory_space<vmem>> -> memref<128x64xf32, #tpu.memory_space<vmem>>
      %dma_wait3A_686 = arith.constant 0 : i32
      %dma_wait3A_687 = tpu.memref_slice %arg5[%add3A_680, %dma_wait3A_686] : memref<200x128xi32, #tpu.memory_space<vmem>> -> memref<1x128xi32, #tpu.memory_space<vmem>>
      %dma_wait3A_688 = tpu.memref_squeeze %dma_wait3A_687 : memref<1x128xi32, #tpu.memory_space<vmem>> -> memref<128xi32, #tpu.memory_space<vmem>>
      %dma_wait3A_689 = arith.constant 0 : i32
      %dma_wait3A_690 = arith.constant 0 : i32
      %dma_wait3A_691 = tpu.memref_slice %arg3[%dma_wait3A_689, %dma_wait3A_690] : memref<1000000x64xf32, #tpu.memory_space<hbm>> -> memref<1000000x64xf32, #tpu.memory_space<hbm>>
      tpu.wait_indirect_dma semaphore(%arg13 : memref<!tpu.dma_semaphore, #tpu.memory_space<semaphore_mem>>) src(%dma_wait3A_691 : memref<1000000x64xf32, #tpu.memory_space<hbm>>) dst(%dma_wait3A_685 : memref<128x64xf32, #tpu.memory_space<vmem>>)
      %dma_start3A_692 = arith.constant 6 : i32
      %dma_start3A_693 = arith.constant 0 : i32
      %dma_start3A_694 = arith.constant 0 : i32
      %dma_start3A_695 = tpu.memref_slice %arg6[%dma_start3A_692, %dma_start3A_693, %dma_start3A_694] : memref<8x128x64xf32, #tpu.memory_space<vmem>> -> memref<1x128x64xf32, #tpu.memory_space<vmem>>
      %dma_start3A_696 = tpu.memref_squeeze %dma_start3A_695 : memref<1x128x64xf32, #tpu.memory_space<vmem>> -> memref<128x64xf32, #tpu.memory_space<vmem>>
      %dma_start3A_697 = arith.constant 0 : i32
      %dma_start3A_698 = arith.constant 0 : i32
      %dma_start3A_699 = tpu.memref_slice %arg4[%add3A, %add3A_680, %dma_start3A_697, %dma_start3A_698] : memref<32x200x128x64xf32, #tpu.memory_space<hbm>> -> memref<1x1x128x64xf32, #tpu.memory_space<hbm>>
      %dma_start3A_700 = tpu.memref_squeeze %dma_start3A_699 : memref<1x1x128x64xf32, #tpu.memory_space<hbm>> -> memref<128x64xf32, #tpu.memory_space<hbm>>
      %dma_start3A_701 = arith.constant 0 : i32
      %dma_start3A_702 = arith.constant 0 : i32
      %dma_start3A_703 = tpu.memref_slice %arg4[%add3A, %add3A_680, %dma_start3A_701, %dma_start3A_702] : memref<32x200x128x64xf32, #tpu.memory_space<hbm>> -> memref<1x1x128x64xf32, #tpu.memory_space<hbm>>
      %dma_start3A_704 = tpu.memref_squeeze %dma_start3A_703 : memref<1x1x128x64xf32, #tpu.memory_space<hbm>> -> memref<128x64xf32, #tpu.memory_space<hbm>>
      %dma_start3A_705 = arith.constant 0 : i32
      %dma_start3A_706 = arith.constant 0 : i32
      %dma_start3A_707 = tpu.memref_slice %arg6[%dma_start3A_692, %dma_start3A_705, %dma_start3A_706] : memref<8x128x64xf32, #tpu.memory_space<vmem>> -> memref<1x128x64xf32, #tpu.memory_space<vmem>>
      %dma_start3A_708 = tpu.memref_squeeze %dma_start3A_707 : memref<1x128x64xf32, #tpu.memory_space<vmem>> -> memref<128x64xf32, #tpu.memory_space<vmem>>
      tpu.enqueue_dma source(%dma_start3A_708 : memref<128x64xf32, #tpu.memory_space<vmem>>) target(%dma_start3A_704 : memref<128x64xf32, #tpu.memory_space<hbm>>) target_semaphore(%arg21 : memref<!tpu.dma_semaphore, #tpu.memory_space<semaphore_mem>>)
      %mul3A_709 = arith.constant 8 : i32
      %mul3A_710 = arith.muli %scan3A_484, %mul3A_709 : i32
      %add3A_711 = arith.constant 7 : i32
      %add3A_712 = arith.addi %mul3A_710, %add3A_711 : i32
      %dma_wait3A_713 = arith.constant 7 : i32
      %dma_wait3A_714 = arith.constant 0 : i32
      %dma_wait3A_715 = arith.constant 0 : i32
      %dma_wait3A_716 = tpu.memref_slice %arg6[%dma_wait3A_713, %dma_wait3A_714, %dma_wait3A_715] : memref<8x128x64xf32, #tpu.memory_space<vmem>> -> memref<1x128x64xf32, #tpu.memory_space<vmem>>
      %dma_wait3A_717 = tpu.memref_squeeze %dma_wait3A_716 : memref<1x128x64xf32, #tpu.memory_space<vmem>> -> memref<128x64xf32, #tpu.memory_space<vmem>>
      %dma_wait3A_718 = arith.constant 0 : i32
      %dma_wait3A_719 = tpu.memref_slice %arg5[%add3A_712, %dma_wait3A_718] : memref<200x128xi32, #tpu.memory_space<vmem>> -> memref<1x128xi32, #tpu.memory_space<vmem>>
      %dma_wait3A_720 = tpu.memref_squeeze %dma_wait3A_719 : memref<1x128xi32, #tpu.memory_space<vmem>> -> memref<128xi32, #tpu.memory_space<vmem>>
      %dma_wait3A_721 = arith.constant 0 : i32
      %dma_wait3A_722 = arith.constant 0 : i32
      %dma_wait3A_723 = tpu.memref_slice %arg3[%dma_wait3A_721, %dma_wait3A_722] : memref<1000000x64xf32, #tpu.memory_space<hbm>> -> memref<1000000x64xf32, #tpu.memory_space<hbm>>
      tpu.wait_indirect_dma semaphore(%arg14 : memref<!tpu.dma_semaphore, #tpu.memory_space<semaphore_mem>>) src(%dma_wait3A_723 : memref<1000000x64xf32, #tpu.memory_space<hbm>>) dst(%dma_wait3A_717 : memref<128x64xf32, #tpu.memory_space<vmem>>)
      %dma_start3A_724 = arith.constant 7 : i32
      %dma_start3A_725 = arith.constant 0 : i32
      %dma_start3A_726 = arith.constant 0 : i32
      %dma_start3A_727 = tpu.memref_slice %arg6[%dma_start3A_724, %dma_start3A_725, %dma_start3A_726] : memref<8x128x64xf32, #tpu.memory_space<vmem>> -> memref<1x128x64xf32, #tpu.memory_space<vmem>>
      %dma_start3A_728 = tpu.memref_squeeze %dma_start3A_727 : memref<1x128x64xf32, #tpu.memory_space<vmem>> -> memref<128x64xf32, #tpu.memory_space<vmem>>
      %dma_start3A_729 = arith.constant 0 : i32
      %dma_start3A_730 = arith.constant 0 : i32
      %dma_start3A_731 = tpu.memref_slice %arg4[%add3A, %add3A_712, %dma_start3A_729, %dma_start3A_730] : memref<32x200x128x64xf32, #tpu.memory_space<hbm>> -> memref<1x1x128x64xf32, #tpu.memory_space<hbm>>
      %dma_start3A_732 = tpu.memref_squeeze %dma_start3A_731 : memref<1x1x128x64xf32, #tpu.memory_space<hbm>> -> memref<128x64xf32, #tpu.memory_space<hbm>>
      %dma_start3A_733 = arith.constant 0 : i32
      %dma_start3A_734 = arith.constant 0 : i32
      %dma_start3A_735 = tpu.memref_slice %arg4[%add3A, %add3A_712, %dma_start3A_733, %dma_start3A_734] : memref<32x200x128x64xf32, #tpu.memory_space<hbm>> -> memref<1x1x128x64xf32, #tpu.memory_space<hbm>>
      %dma_start3A_736 = tpu.memref_squeeze %dma_start3A_735 : memref<1x1x128x64xf32, #tpu.memory_space<hbm>> -> memref<128x64xf32, #tpu.memory_space<hbm>>
      %dma_start3A_737 = arith.constant 0 : i32
      %dma_start3A_738 = arith.constant 0 : i32
      %dma_start3A_739 = tpu.memref_slice %arg6[%dma_start3A_724, %dma_start3A_737, %dma_start3A_738] : memref<8x128x64xf32, #tpu.memory_space<vmem>> -> memref<1x128x64xf32, #tpu.memory_space<vmem>>
      %dma_start3A_740 = tpu.memref_squeeze %dma_start3A_739 : memref<1x128x64xf32, #tpu.memory_space<vmem>> -> memref<128x64xf32, #tpu.memory_space<vmem>>
      tpu.enqueue_dma source(%dma_start3A_740 : memref<128x64xf32, #tpu.memory_space<vmem>>) target(%dma_start3A_736 : memref<128x64xf32, #tpu.memory_space<hbm>>) target_semaphore(%arg22 : memref<!tpu.dma_semaphore, #tpu.memory_space<semaphore_mem>>)
      %mul3A_741 = arith.constant 8 : i32
      %mul3A_742 = arith.muli %scan3A_484, %mul3A_741 : i32
      %add3A_743 = arith.constant 0 : i32
      %add3A_744 = arith.addi %mul3A_742, %add3A_743 : i32
      %dma_wait3A_745 = arith.constant 0 : i32
      %dma_wait3A_746 = arith.constant 0 : i32
      %dma_wait3A_747 = arith.constant 0 : i32
      %dma_wait3A_748 = tpu.memref_slice %arg6[%dma_wait3A_745, %dma_wait3A_746, %dma_wait3A_747] : memref<8x128x64xf32, #tpu.memory_space<vmem>> -> memref<1x128x64xf32, #tpu.memory_space<vmem>>
      %dma_wait3A_749 = tpu.memref_squeeze %dma_wait3A_748 : memref<1x128x64xf32, #tpu.memory_space<vmem>> -> memref<128x64xf32, #tpu.memory_space<vmem>>
      %dma_wait3A_750 = arith.constant 0 : i32
      %dma_wait3A_751 = arith.constant 0 : i32
      %dma_wait3A_752 = tpu.memref_slice %arg4[%add3A, %add3A_744, %dma_wait3A_750, %dma_wait3A_751] : memref<32x200x128x64xf32, #tpu.memory_space<hbm>> -> memref<1x1x128x64xf32, #tpu.memory_space<hbm>>
      %dma_wait3A_753 = tpu.memref_squeeze %dma_wait3A_752 : memref<1x1x128x64xf32, #tpu.memory_space<hbm>> -> memref<128x64xf32, #tpu.memory_space<hbm>>
      %dma_wait3A_754 = arith.constant 0 : i32
      %dma_wait3A_755 = arith.constant 0 : i32
      %dma_wait3A_756 = tpu.memref_slice %arg4[%add3A, %add3A_744, %dma_wait3A_754, %dma_wait3A_755] : memref<32x200x128x64xf32, #tpu.memory_space<hbm>> -> memref<1x1x128x64xf32, #tpu.memory_space<hbm>>
      %dma_wait3A_757 = tpu.memref_squeeze %dma_wait3A_756 : memref<1x1x128x64xf32, #tpu.memory_space<hbm>> -> memref<128x64xf32, #tpu.memory_space<hbm>>
      %dma_wait3A_758 = arith.constant 0 : i32
      %dma_wait3A_759 = arith.constant 0 : i32
      %dma_wait3A_760 = tpu.memref_slice %arg6[%dma_wait3A_745, %dma_wait3A_758, %dma_wait3A_759] : memref<8x128x64xf32, #tpu.memory_space<vmem>> -> memref<1x128x64xf32, #tpu.memory_space<vmem>>
      %dma_wait3A_761 = tpu.memref_squeeze %dma_wait3A_760 : memref<1x128x64xf32, #tpu.memory_space<vmem>> -> memref<128x64xf32, #tpu.memory_space<vmem>>
      tpu.wait_dma2 semaphore(%arg15 : memref<!tpu.dma_semaphore, #tpu.memory_space<semaphore_mem>>) src(%dma_wait3A_761 : memref<128x64xf32, #tpu.memory_space<vmem>>) dst(%dma_wait3A_757 : memref<128x64xf32, #tpu.memory_space<hbm>>)
      %add3A_762 = arith.constant 8 : i32
      %add3A_763 = arith.addi %add3A_744, %add3A_762 : i32
      %dma_start3A_764 = arith.constant 0 : i32
      %dma_start3A_765 = arith.constant 0 : i32
      %dma_start3A_766 = arith.constant 0 : i32
      %dma_start3A_767 = tpu.memref_slice %arg6[%dma_start3A_764, %dma_start3A_765, %dma_start3A_766] : memref<8x128x64xf32, #tpu.memory_space<vmem>> -> memref<1x128x64xf32, #tpu.memory_space<vmem>>
      %dma_start3A_768 = tpu.memref_squeeze %dma_start3A_767 : memref<1x128x64xf32, #tpu.memory_space<vmem>> -> memref<128x64xf32, #tpu.memory_space<vmem>>
      %dma_start3A_769 = arith.constant 0 : i32
      %dma_start3A_770 = tpu.memref_slice %arg5[%add3A_763, %dma_start3A_769] : memref<200x128xi32, #tpu.memory_space<vmem>> -> memref<1x128xi32, #tpu.memory_space<vmem>>
      %dma_start3A_771 = tpu.memref_squeeze %dma_start3A_770 : memref<1x128xi32, #tpu.memory_space<vmem>> -> memref<128xi32, #tpu.memory_space<vmem>>
      %dma_start3A_772 = arith.constant 0 : i32
      %dma_start3A_773 = arith.constant 0 : i32
      %dma_start3A_774 = tpu.memref_slice %arg3[%dma_start3A_772, %dma_start3A_773] : memref<1000000x64xf32, #tpu.memory_space<hbm>> -> memref<1000000x64xf32, #tpu.memory_space<hbm>>
      tpu.enqueue_indirect_dma source(%dma_start3A_774 : memref<1000000x64xf32, #tpu.memory_space<hbm>>) target(%dma_start3A_768 : memref<128x64xf32, #tpu.memory_space<vmem>>) offsets(%dma_start3A_771 : memref<128xi32, #tpu.memory_space<vmem>>) semaphore(%arg7 : memref<!tpu.dma_semaphore, #tpu.memory_space<semaphore_mem>>)
      %mul3A_775 = arith.constant 8 : i32
      %mul3A_776 = arith.muli %scan3A_484, %mul3A_775 : i32
      %add3A_777 = arith.constant 1 : i32
      %add3A_778 = arith.addi %mul3A_776, %add3A_777 : i32
      %dma_wait3A_779 = arith.constant 1 : i32
      %dma_wait3A_780 = arith.constant 0 : i32
      %dma_wait3A_781 = arith.constant 0 : i32
      %dma_wait3A_782 = tpu.memref_slice %arg6[%dma_wait3A_779, %dma_wait3A_780, %dma_wait3A_781] : memref<8x128x64xf32, #tpu.memory_space<vmem>> -> memref<1x128x64xf32, #tpu.memory_space<vmem>>
      %dma_wait3A_783 = tpu.memref_squeeze %dma_wait3A_782 : memref<1x128x64xf32, #tpu.memory_space<vmem>> -> memref<128x64xf32, #tpu.memory_space<vmem>>
      %dma_wait3A_784 = arith.constant 0 : i32
      %dma_wait3A_785 = arith.constant 0 : i32
      %dma_wait3A_786 = tpu.memref_slice %arg4[%add3A, %add3A_778, %dma_wait3A_784, %dma_wait3A_785] : memref<32x200x128x64xf32, #tpu.memory_space<hbm>> -> memref<1x1x128x64xf32, #tpu.memory_space<hbm>>
      %dma_wait3A_787 = tpu.memref_squeeze %dma_wait3A_786 : memref<1x1x128x64xf32, #tpu.memory_space<hbm>> -> memref<128x64xf32, #tpu.memory_space<hbm>>
      %dma_wait3A_788 = arith.constant 0 : i32
      %dma_wait3A_789 = arith.constant 0 : i32
      %dma_wait3A_790 = tpu.memref_slice %arg4[%add3A, %add3A_778, %dma_wait3A_788, %dma_wait3A_789] : memref<32x200x128x64xf32, #tpu.memory_space<hbm>> -> memref<1x1x128x64xf32, #tpu.memory_space<hbm>>
      %dma_wait3A_791 = tpu.memref_squeeze %dma_wait3A_790 : memref<1x1x128x64xf32, #tpu.memory_space<hbm>> -> memref<128x64xf32, #tpu.memory_space<hbm>>
      %dma_wait3A_792 = arith.constant 0 : i32
      %dma_wait3A_793 = arith.constant 0 : i32
      %dma_wait3A_794 = tpu.memref_slice %arg6[%dma_wait3A_779, %dma_wait3A_792, %dma_wait3A_793] : memref<8x128x64xf32, #tpu.memory_space<vmem>> -> memref<1x128x64xf32, #tpu.memory_space<vmem>>
      %dma_wait3A_795 = tpu.memref_squeeze %dma_wait3A_794 : memref<1x128x64xf32, #tpu.memory_space<vmem>> -> memref<128x64xf32, #tpu.memory_space<vmem>>
      tpu.wait_dma2 semaphore(%arg16 : memref<!tpu.dma_semaphore, #tpu.memory_space<semaphore_mem>>) src(%dma_wait3A_795 : memref<128x64xf32, #tpu.memory_space<vmem>>) dst(%dma_wait3A_791 : memref<128x64xf32, #tpu.memory_space<hbm>>)
      %add3A_796 = arith.constant 8 : i32
      %add3A_797 = arith.addi %add3A_778, %add3A_796 : i32
      %dma_start3A_798 = arith.constant 1 : i32
      %dma_start3A_799 = arith.constant 0 : i32
      %dma_start3A_800 = arith.constant 0 : i32
      %dma_start3A_801 = tpu.memref_slice %arg6[%dma_start3A_798, %dma_start3A_799, %dma_start3A_800] : memref<8x128x64xf32, #tpu.memory_space<vmem>> -> memref<1x128x64xf32, #tpu.memory_space<vmem>>
      %dma_start3A_802 = tpu.memref_squeeze %dma_start3A_801 : memref<1x128x64xf32, #tpu.memory_space<vmem>> -> memref<128x64xf32, #tpu.memory_space<vmem>>
      %dma_start3A_803 = arith.constant 0 : i32
      %dma_start3A_804 = tpu.memref_slice %arg5[%add3A_797, %dma_start3A_803] : memref<200x128xi32, #tpu.memory_space<vmem>> -> memref<1x128xi32, #tpu.memory_space<vmem>>
      %dma_start3A_805 = tpu.memref_squeeze %dma_start3A_804 : memref<1x128xi32, #tpu.memory_space<vmem>> -> memref<128xi32, #tpu.memory_space<vmem>>
      %dma_start3A_806 = arith.constant 0 : i32
      %dma_start3A_807 = arith.constant 0 : i32
      %dma_start3A_808 = tpu.memref_slice %arg3[%dma_start3A_806, %dma_start3A_807] : memref<1000000x64xf32, #tpu.memory_space<hbm>> -> memref<1000000x64xf32, #tpu.memory_space<hbm>>
      tpu.enqueue_indirect_dma source(%dma_start3A_808 : memref<1000000x64xf32, #tpu.memory_space<hbm>>) target(%dma_start3A_802 : memref<128x64xf32, #tpu.memory_space<vmem>>) offsets(%dma_start3A_805 : memref<128xi32, #tpu.memory_space<vmem>>) semaphore(%arg8 : memref<!tpu.dma_semaphore, #tpu.memory_space<semaphore_mem>>)
      %mul3A_809 = arith.constant 8 : i32
      %mul3A_810 = arith.muli %scan3A_484, %mul3A_809 : i32
      %add3A_811 = arith.constant 2 : i32
      %add3A_812 = arith.addi %mul3A_810, %add3A_811 : i32
      %dma_wait3A_813 = arith.constant 2 : i32
      %dma_wait3A_814 = arith.constant 0 : i32
      %dma_wait3A_815 = arith.constant 0 : i32
      %dma_wait3A_816 = tpu.memref_slice %arg6[%dma_wait3A_813, %dma_wait3A_814, %dma_wait3A_815] : memref<8x128x64xf32, #tpu.memory_space<vmem>> -> memref<1x128x64xf32, #tpu.memory_space<vmem>>
      %dma_wait3A_817 = tpu.memref_squeeze %dma_wait3A_816 : memref<1x128x64xf32, #tpu.memory_space<vmem>> -> memref<128x64xf32, #tpu.memory_space<vmem>>
      %dma_wait3A_818 = arith.constant 0 : i32
      %dma_wait3A_819 = arith.constant 0 : i32
      %dma_wait3A_820 = tpu.memref_slice %arg4[%add3A, %add3A_812, %dma_wait3A_818, %dma_wait3A_819] : memref<32x200x128x64xf32, #tpu.memory_space<hbm>> -> memref<1x1x128x64xf32, #tpu.memory_space<hbm>>
      %dma_wait3A_821 = tpu.memref_squeeze %dma_wait3A_820 : memref<1x1x128x64xf32, #tpu.memory_space<hbm>> -> memref<128x64xf32, #tpu.memory_space<hbm>>
      %dma_wait3A_822 = arith.constant 0 : i32
      %dma_wait3A_823 = arith.constant 0 : i32
      %dma_wait3A_824 = tpu.memref_slice %arg4[%add3A, %add3A_812, %dma_wait3A_822, %dma_wait3A_823] : memref<32x200x128x64xf32, #tpu.memory_space<hbm>> -> memref<1x1x128x64xf32, #tpu.memory_space<hbm>>
      %dma_wait3A_825 = tpu.memref_squeeze %dma_wait3A_824 : memref<1x1x128x64xf32, #tpu.memory_space<hbm>> -> memref<128x64xf32, #tpu.memory_space<hbm>>
      %dma_wait3A_826 = arith.constant 0 : i32
      %dma_wait3A_827 = arith.constant 0 : i32
      %dma_wait3A_828 = tpu.memref_slice %arg6[%dma_wait3A_813, %dma_wait3A_826, %dma_wait3A_827] : memref<8x128x64xf32, #tpu.memory_space<vmem>> -> memref<1x128x64xf32, #tpu.memory_space<vmem>>
      %dma_wait3A_829 = tpu.memref_squeeze %dma_wait3A_828 : memref<1x128x64xf32, #tpu.memory_space<vmem>> -> memref<128x64xf32, #tpu.memory_space<vmem>>
      tpu.wait_dma2 semaphore(%arg17 : memref<!tpu.dma_semaphore, #tpu.memory_space<semaphore_mem>>) src(%dma_wait3A_829 : memref<128x64xf32, #tpu.memory_space<vmem>>) dst(%dma_wait3A_825 : memref<128x64xf32, #tpu.memory_space<hbm>>)
      %add3A_830 = arith.constant 8 : i32
      %add3A_831 = arith.addi %add3A_812, %add3A_830 : i32
      %dma_start3A_832 = arith.constant 2 : i32
      %dma_start3A_833 = arith.constant 0 : i32
      %dma_start3A_834 = arith.constant 0 : i32
      %dma_start3A_835 = tpu.memref_slice %arg6[%dma_start3A_832, %dma_start3A_833, %dma_start3A_834] : memref<8x128x64xf32, #tpu.memory_space<vmem>> -> memref<1x128x64xf32, #tpu.memory_space<vmem>>
      %dma_start3A_836 = tpu.memref_squeeze %dma_start3A_835 : memref<1x128x64xf32, #tpu.memory_space<vmem>> -> memref<128x64xf32, #tpu.memory_space<vmem>>
      %dma_start3A_837 = arith.constant 0 : i32
      %dma_start3A_838 = tpu.memref_slice %arg5[%add3A_831, %dma_start3A_837] : memref<200x128xi32, #tpu.memory_space<vmem>> -> memref<1x128xi32, #tpu.memory_space<vmem>>
      %dma_start3A_839 = tpu.memref_squeeze %dma_start3A_838 : memref<1x128xi32, #tpu.memory_space<vmem>> -> memref<128xi32, #tpu.memory_space<vmem>>
      %dma_start3A_840 = arith.constant 0 : i32
      %dma_start3A_841 = arith.constant 0 : i32
      %dma_start3A_842 = tpu.memref_slice %arg3[%dma_start3A_840, %dma_start3A_841] : memref<1000000x64xf32, #tpu.memory_space<hbm>> -> memref<1000000x64xf32, #tpu.memory_space<hbm>>
      tpu.enqueue_indirect_dma source(%dma_start3A_842 : memref<1000000x64xf32, #tpu.memory_space<hbm>>) target(%dma_start3A_836 : memref<128x64xf32, #tpu.memory_space<vmem>>) offsets(%dma_start3A_839 : memref<128xi32, #tpu.memory_space<vmem>>) semaphore(%arg9 : memref<!tpu.dma_semaphore, #tpu.memory_space<semaphore_mem>>)
      %mul3A_843 = arith.constant 8 : i32
      %mul3A_844 = arith.muli %scan3A_484, %mul3A_843 : i32
      %add3A_845 = arith.constant 3 : i32
      %add3A_846 = arith.addi %mul3A_844, %add3A_845 : i32
      %dma_wait3A_847 = arith.constant 3 : i32
      %dma_wait3A_848 = arith.constant 0 : i32
      %dma_wait3A_849 = arith.constant 0 : i32
      %dma_wait3A_850 = tpu.memref_slice %arg6[%dma_wait3A_847, %dma_wait3A_848, %dma_wait3A_849] : memref<8x128x64xf32, #tpu.memory_space<vmem>> -> memref<1x128x64xf32, #tpu.memory_space<vmem>>
      %dma_wait3A_851 = tpu.memref_squeeze %dma_wait3A_850 : memref<1x128x64xf32, #tpu.memory_space<vmem>> -> memref<128x64xf32, #tpu.memory_space<vmem>>
      %dma_wait3A_852 = arith.constant 0 : i32
      %dma_wait3A_853 = arith.constant 0 : i32
      %dma_wait3A_854 = tpu.memref_slice %arg4[%add3A, %add3A_846, %dma_wait3A_852, %dma_wait3A_853] : memref<32x200x128x64xf32, #tpu.memory_space<hbm>> -> memref<1x1x128x64xf32, #tpu.memory_space<hbm>>
      %dma_wait3A_855 = tpu.memref_squeeze %dma_wait3A_854 : memref<1x1x128x64xf32, #tpu.memory_space<hbm>> -> memref<128x64xf32, #tpu.memory_space<hbm>>
      %dma_wait3A_856 = arith.constant 0 : i32
      %dma_wait3A_857 = arith.constant 0 : i32
      %dma_wait3A_858 = tpu.memref_slice %arg4[%add3A, %add3A_846, %dma_wait3A_856, %dma_wait3A_857] : memref<32x200x128x64xf32, #tpu.memory_space<hbm>> -> memref<1x1x128x64xf32, #tpu.memory_space<hbm>>
      %dma_wait3A_859 = tpu.memref_squeeze %dma_wait3A_858 : memref<1x1x128x64xf32, #tpu.memory_space<hbm>> -> memref<128x64xf32, #tpu.memory_space<hbm>>
      %dma_wait3A_860 = arith.constant 0 : i32
      %dma_wait3A_861 = arith.constant 0 : i32
      %dma_wait3A_862 = tpu.memref_slice %arg6[%dma_wait3A_847, %dma_wait3A_860, %dma_wait3A_861] : memref<8x128x64xf32, #tpu.memory_space<vmem>> -> memref<1x128x64xf32, #tpu.memory_space<vmem>>
      %dma_wait3A_863 = tpu.memref_squeeze %dma_wait3A_862 : memref<1x128x64xf32, #tpu.memory_space<vmem>> -> memref<128x64xf32, #tpu.memory_space<vmem>>
      tpu.wait_dma2 semaphore(%arg18 : memref<!tpu.dma_semaphore, #tpu.memory_space<semaphore_mem>>) src(%dma_wait3A_863 : memref<128x64xf32, #tpu.memory_space<vmem>>) dst(%dma_wait3A_859 : memref<128x64xf32, #tpu.memory_space<hbm>>)
      %add3A_864 = arith.constant 8 : i32
      %add3A_865 = arith.addi %add3A_846, %add3A_864 : i32
      %dma_start3A_866 = arith.constant 3 : i32
      %dma_start3A_867 = arith.constant 0 : i32
      %dma_start3A_868 = arith.constant 0 : i32
      %dma_start3A_869 = tpu.memref_slice %arg6[%dma_start3A_866, %dma_start3A_867, %dma_start3A_868] : memref<8x128x64xf32, #tpu.memory_space<vmem>> -> memref<1x128x64xf32, #tpu.memory_space<vmem>>
      %dma_start3A_870 = tpu.memref_squeeze %dma_start3A_869 : memref<1x128x64xf32, #tpu.memory_space<vmem>> -> memref<128x64xf32, #tpu.memory_space<vmem>>
      %dma_start3A_871 = arith.constant 0 : i32
      %dma_start3A_872 = tpu.memref_slice %arg5[%add3A_865, %dma_start3A_871] : memref<200x128xi32, #tpu.memory_space<vmem>> -> memref<1x128xi32, #tpu.memory_space<vmem>>
      %dma_start3A_873 = tpu.memref_squeeze %dma_start3A_872 : memref<1x128xi32, #tpu.memory_space<vmem>> -> memref<128xi32, #tpu.memory_space<vmem>>
      %dma_start3A_874 = arith.constant 0 : i32
      %dma_start3A_875 = arith.constant 0 : i32
      %dma_start3A_876 = tpu.memref_slice %arg3[%dma_start3A_874, %dma_start3A_875] : memref<1000000x64xf32, #tpu.memory_space<hbm>> -> memref<1000000x64xf32, #tpu.memory_space<hbm>>
      tpu.enqueue_indirect_dma source(%dma_start3A_876 : memref<1000000x64xf32, #tpu.memory_space<hbm>>) target(%dma_start3A_870 : memref<128x64xf32, #tpu.memory_space<vmem>>) offsets(%dma_start3A_873 : memref<128xi32, #tpu.memory_space<vmem>>) semaphore(%arg10 : memref<!tpu.dma_semaphore, #tpu.memory_space<semaphore_mem>>)
      %mul3A_877 = arith.constant 8 : i32
      %mul3A_878 = arith.muli %scan3A_484, %mul3A_877 : i32
      %add3A_879 = arith.constant 4 : i32
      %add3A_880 = arith.addi %mul3A_878, %add3A_879 : i32
      %dma_wait3A_881 = arith.constant 4 : i32
      %dma_wait3A_882 = arith.constant 0 : i32
      %dma_wait3A_883 = arith.constant 0 : i32
      %dma_wait3A_884 = tpu.memref_slice %arg6[%dma_wait3A_881, %dma_wait3A_882, %dma_wait3A_883] : memref<8x128x64xf32, #tpu.memory_space<vmem>> -> memref<1x128x64xf32, #tpu.memory_space<vmem>>
      %dma_wait3A_885 = tpu.memref_squeeze %dma_wait3A_884 : memref<1x128x64xf32, #tpu.memory_space<vmem>> -> memref<128x64xf32, #tpu.memory_space<vmem>>
      %dma_wait3A_886 = arith.constant 0 : i32
      %dma_wait3A_887 = arith.constant 0 : i32
      %dma_wait3A_888 = tpu.memref_slice %arg4[%add3A, %add3A_880, %dma_wait3A_886, %dma_wait3A_887] : memref<32x200x128x64xf32, #tpu.memory_space<hbm>> -> memref<1x1x128x64xf32, #tpu.memory_space<hbm>>
      %dma_wait3A_889 = tpu.memref_squeeze %dma_wait3A_888 : memref<1x1x128x64xf32, #tpu.memory_space<hbm>> -> memref<128x64xf32, #tpu.memory_space<hbm>>
      %dma_wait3A_890 = arith.constant 0 : i32
      %dma_wait3A_891 = arith.constant 0 : i32
      %dma_wait3A_892 = tpu.memref_slice %arg4[%add3A, %add3A_880, %dma_wait3A_890, %dma_wait3A_891] : memref<32x200x128x64xf32, #tpu.memory_space<hbm>> -> memref<1x1x128x64xf32, #tpu.memory_space<hbm>>
      %dma_wait3A_893 = tpu.memref_squeeze %dma_wait3A_892 : memref<1x1x128x64xf32, #tpu.memory_space<hbm>> -> memref<128x64xf32, #tpu.memory_space<hbm>>
      %dma_wait3A_894 = arith.constant 0 : i32
      %dma_wait3A_895 = arith.constant 0 : i32
      %dma_wait3A_896 = tpu.memref_slice %arg6[%dma_wait3A_881, %dma_wait3A_894, %dma_wait3A_895] : memref<8x128x64xf32, #tpu.memory_space<vmem>> -> memref<1x128x64xf32, #tpu.memory_space<vmem>>
      %dma_wait3A_897 = tpu.memref_squeeze %dma_wait3A_896 : memref<1x128x64xf32, #tpu.memory_space<vmem>> -> memref<128x64xf32, #tpu.memory_space<vmem>>
      tpu.wait_dma2 semaphore(%arg19 : memref<!tpu.dma_semaphore, #tpu.memory_space<semaphore_mem>>) src(%dma_wait3A_897 : memref<128x64xf32, #tpu.memory_space<vmem>>) dst(%dma_wait3A_893 : memref<128x64xf32, #tpu.memory_space<hbm>>)
      %add3A_898 = arith.constant 8 : i32
      %add3A_899 = arith.addi %add3A_880, %add3A_898 : i32
      %dma_start3A_900 = arith.constant 4 : i32
      %dma_start3A_901 = arith.constant 0 : i32
      %dma_start3A_902 = arith.constant 0 : i32
      %dma_start3A_903 = tpu.memref_slice %arg6[%dma_start3A_900, %dma_start3A_901, %dma_start3A_902] : memref<8x128x64xf32, #tpu.memory_space<vmem>> -> memref<1x128x64xf32, #tpu.memory_space<vmem>>
      %dma_start3A_904 = tpu.memref_squeeze %dma_start3A_903 : memref<1x128x64xf32, #tpu.memory_space<vmem>> -> memref<128x64xf32, #tpu.memory_space<vmem>>
      %dma_start3A_905 = arith.constant 0 : i32
      %dma_start3A_906 = tpu.memref_slice %arg5[%add3A_899, %dma_start3A_905] : memref<200x128xi32, #tpu.memory_space<vmem>> -> memref<1x128xi32, #tpu.memory_space<vmem>>
      %dma_start3A_907 = tpu.memref_squeeze %dma_start3A_906 : memref<1x128xi32, #tpu.memory_space<vmem>> -> memref<128xi32, #tpu.memory_space<vmem>>
      %dma_start3A_908 = arith.constant 0 : i32
      %dma_start3A_909 = arith.constant 0 : i32
      %dma_start3A_910 = tpu.memref_slice %arg3[%dma_start3A_908, %dma_start3A_909] : memref<1000000x64xf32, #tpu.memory_space<hbm>> -> memref<1000000x64xf32, #tpu.memory_space<hbm>>
      tpu.enqueue_indirect_dma source(%dma_start3A_910 : memref<1000000x64xf32, #tpu.memory_space<hbm>>) target(%dma_start3A_904 : memref<128x64xf32, #tpu.memory_space<vmem>>) offsets(%dma_start3A_907 : memref<128xi32, #tpu.memory_space<vmem>>) semaphore(%arg11 : memref<!tpu.dma_semaphore, #tpu.memory_space<semaphore_mem>>)
      %mul3A_911 = arith.constant 8 : i32
      %mul3A_912 = arith.muli %scan3A_484, %mul3A_911 : i32
      %add3A_913 = arith.constant 5 : i32
      %add3A_914 = arith.addi %mul3A_912, %add3A_913 : i32
      %dma_wait3A_915 = arith.constant 5 : i32
      %dma_wait3A_916 = arith.constant 0 : i32
      %dma_wait3A_917 = arith.constant 0 : i32
      %dma_wait3A_918 = tpu.memref_slice %arg6[%dma_wait3A_915, %dma_wait3A_916, %dma_wait3A_917] : memref<8x128x64xf32, #tpu.memory_space<vmem>> -> memref<1x128x64xf32, #tpu.memory_space<vmem>>
      %dma_wait3A_919 = tpu.memref_squeeze %dma_wait3A_918 : memref<1x128x64xf32, #tpu.memory_space<vmem>> -> memref<128x64xf32, #tpu.memory_space<vmem>>
      %dma_wait3A_920 = arith.constant 0 : i32
      %dma_wait3A_921 = arith.constant 0 : i32
      %dma_wait3A_922 = tpu.memref_slice %arg4[%add3A, %add3A_914, %dma_wait3A_920, %dma_wait3A_921] : memref<32x200x128x64xf32, #tpu.memory_space<hbm>> -> memref<1x1x128x64xf32, #tpu.memory_space<hbm>>
      %dma_wait3A_923 = tpu.memref_squeeze %dma_wait3A_922 : memref<1x1x128x64xf32, #tpu.memory_space<hbm>> -> memref<128x64xf32, #tpu.memory_space<hbm>>
      %dma_wait3A_924 = arith.constant 0 : i32
      %dma_wait3A_925 = arith.constant 0 : i32
      %dma_wait3A_926 = tpu.memref_slice %arg4[%add3A, %add3A_914, %dma_wait3A_924, %dma_wait3A_925] : memref<32x200x128x64xf32, #tpu.memory_space<hbm>> -> memref<1x1x128x64xf32, #tpu.memory_space<hbm>>
      %dma_wait3A_927 = tpu.memref_squeeze %dma_wait3A_926 : memref<1x1x128x64xf32, #tpu.memory_space<hbm>> -> memref<128x64xf32, #tpu.memory_space<hbm>>
      %dma_wait3A_928 = arith.constant 0 : i32
      %dma_wait3A_929 = arith.constant 0 : i32
      %dma_wait3A_930 = tpu.memref_slice %arg6[%dma_wait3A_915, %dma_wait3A_928, %dma_wait3A_929] : memref<8x128x64xf32, #tpu.memory_space<vmem>> -> memref<1x128x64xf32, #tpu.memory_space<vmem>>
      %dma_wait3A_931 = tpu.memref_squeeze %dma_wait3A_930 : memref<1x128x64xf32, #tpu.memory_space<vmem>> -> memref<128x64xf32, #tpu.memory_space<vmem>>
      tpu.wait_dma2 semaphore(%arg20 : memref<!tpu.dma_semaphore, #tpu.memory_space<semaphore_mem>>) src(%dma_wait3A_931 : memref<128x64xf32, #tpu.memory_space<vmem>>) dst(%dma_wait3A_927 : memref<128x64xf32, #tpu.memory_space<hbm>>)
      %add3A_932 = arith.constant 8 : i32
      %add3A_933 = arith.addi %add3A_914, %add3A_932 : i32
      %dma_start3A_934 = arith.constant 5 : i32
      %dma_start3A_935 = arith.constant 0 : i32
      %dma_start3A_936 = arith.constant 0 : i32
      %dma_start3A_937 = tpu.memref_slice %arg6[%dma_start3A_934, %dma_start3A_935, %dma_start3A_936] : memref<8x128x64xf32, #tpu.memory_space<vmem>> -> memref<1x128x64xf32, #tpu.memory_space<vmem>>
      %dma_start3A_938 = tpu.memref_squeeze %dma_start3A_937 : memref<1x128x64xf32, #tpu.memory_space<vmem>> -> memref<128x64xf32, #tpu.memory_space<vmem>>
      %dma_start3A_939 = arith.constant 0 : i32
      %dma_start3A_940 = tpu.memref_slice %arg5[%add3A_933, %dma_start3A_939] : memref<200x128xi32, #tpu.memory_space<vmem>> -> memref<1x128xi32, #tpu.memory_space<vmem>>
      %dma_start3A_941 = tpu.memref_squeeze %dma_start3A_940 : memref<1x128xi32, #tpu.memory_space<vmem>> -> memref<128xi32, #tpu.memory_space<vmem>>
      %dma_start3A_942 = arith.constant 0 : i32
      %dma_start3A_943 = arith.constant 0 : i32
      %dma_start3A_944 = tpu.memref_slice %arg3[%dma_start3A_942, %dma_start3A_943] : memref<1000000x64xf32, #tpu.memory_space<hbm>> -> memref<1000000x64xf32, #tpu.memory_space<hbm>>
      tpu.enqueue_indirect_dma source(%dma_start3A_944 : memref<1000000x64xf32, #tpu.memory_space<hbm>>) target(%dma_start3A_938 : memref<128x64xf32, #tpu.memory_space<vmem>>) offsets(%dma_start3A_941 : memref<128xi32, #tpu.memory_space<vmem>>) semaphore(%arg12 : memref<!tpu.dma_semaphore, #tpu.memory_space<semaphore_mem>>)
      %mul3A_945 = arith.constant 8 : i32
      %mul3A_946 = arith.muli %scan3A_484, %mul3A_945 : i32
      %add3A_947 = arith.constant 6 : i32
      %add3A_948 = arith.addi %mul3A_946, %add3A_947 : i32
      %dma_wait3A_949 = arith.constant 6 : i32
      %dma_wait3A_950 = arith.constant 0 : i32
      %dma_wait3A_951 = arith.constant 0 : i32
      %dma_wait3A_952 = tpu.memref_slice %arg6[%dma_wait3A_949, %dma_wait3A_950, %dma_wait3A_951] : memref<8x128x64xf32, #tpu.memory_space<vmem>> -> memref<1x128x64xf32, #tpu.memory_space<vmem>>
      %dma_wait3A_953 = tpu.memref_squeeze %dma_wait3A_952 : memref<1x128x64xf32, #tpu.memory_space<vmem>> -> memref<128x64xf32, #tpu.memory_space<vmem>>
      %dma_wait3A_954 = arith.constant 0 : i32
      %dma_wait3A_955 = arith.constant 0 : i32
      %dma_wait3A_956 = tpu.memref_slice %arg4[%add3A, %add3A_948, %dma_wait3A_954, %dma_wait3A_955] : memref<32x200x128x64xf32, #tpu.memory_space<hbm>> -> memref<1x1x128x64xf32, #tpu.memory_space<hbm>>
      %dma_wait3A_957 = tpu.memref_squeeze %dma_wait3A_956 : memref<1x1x128x64xf32, #tpu.memory_space<hbm>> -> memref<128x64xf32, #tpu.memory_space<hbm>>
      %dma_wait3A_958 = arith.constant 0 : i32
      %dma_wait3A_959 = arith.constant 0 : i32
      %dma_wait3A_960 = tpu.memref_slice %arg4[%add3A, %add3A_948, %dma_wait3A_958, %dma_wait3A_959] : memref<32x200x128x64xf32, #tpu.memory_space<hbm>> -> memref<1x1x128x64xf32, #tpu.memory_space<hbm>>
      %dma_wait3A_961 = tpu.memref_squeeze %dma_wait3A_960 : memref<1x1x128x64xf32, #tpu.memory_space<hbm>> -> memref<128x64xf32, #tpu.memory_space<hbm>>
      %dma_wait3A_962 = arith.constant 0 : i32
      %dma_wait3A_963 = arith.constant 0 : i32
      %dma_wait3A_964 = tpu.memref_slice %arg6[%dma_wait3A_949, %dma_wait3A_962, %dma_wait3A_963] : memref<8x128x64xf32, #tpu.memory_space<vmem>> -> memref<1x128x64xf32, #tpu.memory_space<vmem>>
      %dma_wait3A_965 = tpu.memref_squeeze %dma_wait3A_964 : memref<1x128x64xf32, #tpu.memory_space<vmem>> -> memref<128x64xf32, #tpu.memory_space<vmem>>
      tpu.wait_dma2 semaphore(%arg21 : memref<!tpu.dma_semaphore, #tpu.memory_space<semaphore_mem>>) src(%dma_wait3A_965 : memref<128x64xf32, #tpu.memory_space<vmem>>) dst(%dma_wait3A_961 : memref<128x64xf32, #tpu.memory_space<hbm>>)
      %add3A_966 = arith.constant 8 : i32
      %add3A_967 = arith.addi %add3A_948, %add3A_966 : i32
      %dma_start3A_968 = arith.constant 6 : i32
      %dma_start3A_969 = arith.constant 0 : i32
      %dma_start3A_970 = arith.constant 0 : i32
      %dma_start3A_971 = tpu.memref_slice %arg6[%dma_start3A_968, %dma_start3A_969, %dma_start3A_970] : memref<8x128x64xf32, #tpu.memory_space<vmem>> -> memref<1x128x64xf32, #tpu.memory_space<vmem>>
      %dma_start3A_972 = tpu.memref_squeeze %dma_start3A_971 : memref<1x128x64xf32, #tpu.memory_space<vmem>> -> memref<128x64xf32, #tpu.memory_space<vmem>>
      %dma_start3A_973 = arith.constant 0 : i32
      %dma_start3A_974 = tpu.memref_slice %arg5[%add3A_967, %dma_start3A_973] : memref<200x128xi32, #tpu.memory_space<vmem>> -> memref<1x128xi32, #tpu.memory_space<vmem>>
      %dma_start3A_975 = tpu.memref_squeeze %dma_start3A_974 : memref<1x128xi32, #tpu.memory_space<vmem>> -> memref<128xi32, #tpu.memory_space<vmem>>
      %dma_start3A_976 = arith.constant 0 : i32
      %dma_start3A_977 = arith.constant 0 : i32
      %dma_start3A_978 = tpu.memref_slice %arg3[%dma_start3A_976, %dma_start3A_977] : memref<1000000x64xf32, #tpu.memory_space<hbm>> -> memref<1000000x64xf32, #tpu.memory_space<hbm>>
      tpu.enqueue_indirect_dma source(%dma_start3A_978 : memref<1000000x64xf32, #tpu.memory_space<hbm>>) target(%dma_start3A_972 : memref<128x64xf32, #tpu.memory_space<vmem>>) offsets(%dma_start3A_975 : memref<128xi32, #tpu.memory_space<vmem>>) semaphore(%arg13 : memref<!tpu.dma_semaphore, #tpu.memory_space<semaphore_mem>>)
      %mul3A_979 = arith.constant 8 : i32
      %mul3A_980 = arith.muli %scan3A_484, %mul3A_979 : i32
      %add3A_981 = arith.constant 7 : i32
      %add3A_982 = arith.addi %mul3A_980, %add3A_981 : i32
      %dma_wait3A_983 = arith.constant 7 : i32
      %dma_wait3A_984 = arith.constant 0 : i32
      %dma_wait3A_985 = arith.constant 0 : i32
      %dma_wait3A_986 = tpu.memref_slice %arg6[%dma_wait3A_983, %dma_wait3A_984, %dma_wait3A_985] : memref<8x128x64xf32, #tpu.memory_space<vmem>> -> memref<1x128x64xf32, #tpu.memory_space<vmem>>
      %dma_wait3A_987 = tpu.memref_squeeze %dma_wait3A_986 : memref<1x128x64xf32, #tpu.memory_space<vmem>> -> memref<128x64xf32, #tpu.memory_space<vmem>>
      %dma_wait3A_988 = arith.constant 0 : i32
      %dma_wait3A_989 = arith.constant 0 : i32
      %dma_wait3A_990 = tpu.memref_slice %arg4[%add3A, %add3A_982, %dma_wait3A_988, %dma_wait3A_989] : memref<32x200x128x64xf32, #tpu.memory_space<hbm>> -> memref<1x1x128x64xf32, #tpu.memory_space<hbm>>
      %dma_wait3A_991 = tpu.memref_squeeze %dma_wait3A_990 : memref<1x1x128x64xf32, #tpu.memory_space<hbm>> -> memref<128x64xf32, #tpu.memory_space<hbm>>
      %dma_wait3A_992 = arith.constant 0 : i32
      %dma_wait3A_993 = arith.constant 0 : i32
      %dma_wait3A_994 = tpu.memref_slice %arg4[%add3A, %add3A_982, %dma_wait3A_992, %dma_wait3A_993] : memref<32x200x128x64xf32, #tpu.memory_space<hbm>> -> memref<1x1x128x64xf32, #tpu.memory_space<hbm>>
      %dma_wait3A_995 = tpu.memref_squeeze %dma_wait3A_994 : memref<1x1x128x64xf32, #tpu.memory_space<hbm>> -> memref<128x64xf32, #tpu.memory_space<hbm>>
      %dma_wait3A_996 = arith.constant 0 : i32
      %dma_wait3A_997 = arith.constant 0 : i32
      %dma_wait3A_998 = tpu.memref_slice %arg6[%dma_wait3A_983, %dma_wait3A_996, %dma_wait3A_997] : memref<8x128x64xf32, #tpu.memory_space<vmem>> -> memref<1x128x64xf32, #tpu.memory_space<vmem>>
      %dma_wait3A_999 = tpu.memref_squeeze %dma_wait3A_998 : memref<1x128x64xf32, #tpu.memory_space<vmem>> -> memref<128x64xf32, #tpu.memory_space<vmem>>
      tpu.wait_dma2 semaphore(%arg22 : memref<!tpu.dma_semaphore, #tpu.memory_space<semaphore_mem>>) src(%dma_wait3A_999 : memref<128x64xf32, #tpu.memory_space<vmem>>) dst(%dma_wait3A_995 : memref<128x64xf32, #tpu.memory_space<hbm>>)
      %add3A_1000 = arith.constant 8 : i32
      %add3A_1001 = arith.addi %add3A_982, %add3A_1000 : i32
      %dma_start3A_1002 = arith.constant 7 : i32
      %dma_start3A_1003 = arith.constant 0 : i32
      %dma_start3A_1004 = arith.constant 0 : i32
      %dma_start3A_1005 = tpu.memref_slice %arg6[%dma_start3A_1002, %dma_start3A_1003, %dma_start3A_1004] : memref<8x128x64xf32, #tpu.memory_space<vmem>> -> memref<1x128x64xf32, #tpu.memory_space<vmem>>
      %dma_start3A_1006 = tpu.memref_squeeze %dma_start3A_1005 : memref<1x128x64xf32, #tpu.memory_space<vmem>> -> memref<128x64xf32, #tpu.memory_space<vmem>>
      %dma_start3A_1007 = arith.constant 0 : i32
      %dma_start3A_1008 = tpu.memref_slice %arg5[%add3A_1001, %dma_start3A_1007] : memref<200x128xi32, #tpu.memory_space<vmem>> -> memref<1x128xi32, #tpu.memory_space<vmem>>
      %dma_start3A_1009 = tpu.memref_squeeze %dma_start3A_1008 : memref<1x128xi32, #tpu.memory_space<vmem>> -> memref<128xi32, #tpu.memory_space<vmem>>
      %dma_start3A_1010 = arith.constant 0 : i32
      %dma_start3A_1011 = arith.constant 0 : i32
      %dma_start3A_1012 = tpu.memref_slice %arg3[%dma_start3A_1010, %dma_start3A_1011] : memref<1000000x64xf32, #tpu.memory_space<hbm>> -> memref<1000000x64xf32, #tpu.memory_space<hbm>>
      tpu.enqueue_indirect_dma source(%dma_start3A_1012 : memref<1000000x64xf32, #tpu.memory_space<hbm>>) target(%dma_start3A_1006 : memref<128x64xf32, #tpu.memory_space<vmem>>) offsets(%dma_start3A_1009 : memref<128xi32, #tpu.memory_space<vmem>>) semaphore(%arg14 : memref<!tpu.dma_semaphore, #tpu.memory_space<semaphore_mem>>)
    }
    %scan3A_100 = arith.constant 24 : i32
    %dma_wait3A = arith.constant 192 : i32
    %dma_wait3A_101 = arith.constant 0 : i32
    %dma_wait3A_102 = arith.constant 0 : i32
    %dma_wait3A_103 = arith.constant 0 : i32
    %dma_wait3A_104 = tpu.memref_slice %arg6[%dma_wait3A_101, %dma_wait3A_102, %dma_wait3A_103] : memref<8x128x64xf32, #tpu.memory_space<vmem>> -> memref<1x128x64xf32, #tpu.memory_space<vmem>>
    %dma_wait3A_105 = tpu.memref_squeeze %dma_wait3A_104 : memref<1x128x64xf32, #tpu.memory_space<vmem>> -> memref<128x64xf32, #tpu.memory_space<vmem>>
    %dma_wait3A_106 = arith.constant 0 : i32
    %dma_wait3A_107 = tpu.memref_slice %arg5[%dma_wait3A, %dma_wait3A_106] : memref<200x128xi32, #tpu.memory_space<vmem>> -> memref<1x128xi32, #tpu.memory_space<vmem>>
    %dma_wait3A_108 = tpu.memref_squeeze %dma_wait3A_107 : memref<1x128xi32, #tpu.memory_space<vmem>> -> memref<128xi32, #tpu.memory_space<vmem>>
    %dma_wait3A_109 = arith.constant 0 : i32
    %dma_wait3A_110 = arith.constant 0 : i32
    %dma_wait3A_111 = tpu.memref_slice %arg3[%dma_wait3A_109, %dma_wait3A_110] : memref<1000000x64xf32, #tpu.memory_space<hbm>> -> memref<1000000x64xf32, #tpu.memory_space<hbm>>
    tpu.wait_indirect_dma semaphore(%arg7 : memref<!tpu.dma_semaphore, #tpu.memory_space<semaphore_mem>>) src(%dma_wait3A_111 : memref<1000000x64xf32, #tpu.memory_space<hbm>>) dst(%dma_wait3A_105 : memref<128x64xf32, #tpu.memory_space<vmem>>)
    %dma_start3A_112 = arith.constant 0 : i32
    %dma_start3A_113 = arith.constant 192 : i32
    %dma_start3A_114 = arith.constant 0 : i32
    %dma_start3A_115 = arith.constant 0 : i32
    %dma_start3A_116 = tpu.memref_slice %arg6[%dma_start3A_112, %dma_start3A_114, %dma_start3A_115] : memref<8x128x64xf32, #tpu.memory_space<vmem>> -> memref<1x128x64xf32, #tpu.memory_space<vmem>>
    %dma_start3A_117 = tpu.memref_squeeze %dma_start3A_116 : memref<1x128x64xf32, #tpu.memory_space<vmem>> -> memref<128x64xf32, #tpu.memory_space<vmem>>
    %dma_start3A_118 = arith.constant 0 : i32
    %dma_start3A_119 = arith.constant 0 : i32
    %dma_start3A_120 = tpu.memref_slice %arg4[%add3A, %dma_start3A_113, %dma_start3A_118, %dma_start3A_119] : memref<32x200x128x64xf32, #tpu.memory_space<hbm>> -> memref<1x1x128x64xf32, #tpu.memory_space<hbm>>
    %dma_start3A_121 = tpu.memref_squeeze %dma_start3A_120 : memref<1x1x128x64xf32, #tpu.memory_space<hbm>> -> memref<128x64xf32, #tpu.memory_space<hbm>>
    %dma_start3A_122 = arith.constant 0 : i32
    %dma_start3A_123 = arith.constant 0 : i32
    %dma_start3A_124 = tpu.memref_slice %arg4[%add3A, %dma_start3A_113, %dma_start3A_122, %dma_start3A_123] : memref<32x200x128x64xf32, #tpu.memory_space<hbm>> -> memref<1x1x128x64xf32, #tpu.memory_space<hbm>>
    %dma_start3A_125 = tpu.memref_squeeze %dma_start3A_124 : memref<1x1x128x64xf32, #tpu.memory_space<hbm>> -> memref<128x64xf32, #tpu.memory_space<hbm>>
    %dma_start3A_126 = arith.constant 0 : i32
    %dma_start3A_127 = arith.constant 0 : i32
    %dma_start3A_128 = tpu.memref_slice %arg6[%dma_start3A_112, %dma_start3A_126, %dma_start3A_127] : memref<8x128x64xf32, #tpu.memory_space<vmem>> -> memref<1x128x64xf32, #tpu.memory_space<vmem>>
    %dma_start3A_129 = tpu.memref_squeeze %dma_start3A_128 : memref<1x128x64xf32, #tpu.memory_space<vmem>> -> memref<128x64xf32, #tpu.memory_space<vmem>>
    tpu.enqueue_dma source(%dma_start3A_129 : memref<128x64xf32, #tpu.memory_space<vmem>>) target(%dma_start3A_125 : memref<128x64xf32, #tpu.memory_space<hbm>>) target_semaphore(%arg15 : memref<!tpu.dma_semaphore, #tpu.memory_space<semaphore_mem>>)
    %dma_wait3A_130 = arith.constant 193 : i32
    %dma_wait3A_131 = arith.constant 1 : i32
    %dma_wait3A_132 = arith.constant 0 : i32
    %dma_wait3A_133 = arith.constant 0 : i32
    %dma_wait3A_134 = tpu.memref_slice %arg6[%dma_wait3A_131, %dma_wait3A_132, %dma_wait3A_133] : memref<8x128x64xf32, #tpu.memory_space<vmem>> -> memref<1x128x64xf32, #tpu.memory_space<vmem>>
    %dma_wait3A_135 = tpu.memref_squeeze %dma_wait3A_134 : memref<1x128x64xf32, #tpu.memory_space<vmem>> -> memref<128x64xf32, #tpu.memory_space<vmem>>
    %dma_wait3A_136 = arith.constant 0 : i32
    %dma_wait3A_137 = tpu.memref_slice %arg5[%dma_wait3A_130, %dma_wait3A_136] : memref<200x128xi32, #tpu.memory_space<vmem>> -> memref<1x128xi32, #tpu.memory_space<vmem>>
    %dma_wait3A_138 = tpu.memref_squeeze %dma_wait3A_137 : memref<1x128xi32, #tpu.memory_space<vmem>> -> memref<128xi32, #tpu.memory_space<vmem>>
    %dma_wait3A_139 = arith.constant 0 : i32
    %dma_wait3A_140 = arith.constant 0 : i32
    %dma_wait3A_141 = tpu.memref_slice %arg3[%dma_wait3A_139, %dma_wait3A_140] : memref<1000000x64xf32, #tpu.memory_space<hbm>> -> memref<1000000x64xf32, #tpu.memory_space<hbm>>
    tpu.wait_indirect_dma semaphore(%arg8 : memref<!tpu.dma_semaphore, #tpu.memory_space<semaphore_mem>>) src(%dma_wait3A_141 : memref<1000000x64xf32, #tpu.memory_space<hbm>>) dst(%dma_wait3A_135 : memref<128x64xf32, #tpu.memory_space<vmem>>)
    %dma_start3A_142 = arith.constant 1 : i32
    %dma_start3A_143 = arith.constant 193 : i32
    %dma_start3A_144 = arith.constant 0 : i32
    %dma_start3A_145 = arith.constant 0 : i32
    %dma_start3A_146 = tpu.memref_slice %arg6[%dma_start3A_142, %dma_start3A_144, %dma_start3A_145] : memref<8x128x64xf32, #tpu.memory_space<vmem>> -> memref<1x128x64xf32, #tpu.memory_space<vmem>>
    %dma_start3A_147 = tpu.memref_squeeze %dma_start3A_146 : memref<1x128x64xf32, #tpu.memory_space<vmem>> -> memref<128x64xf32, #tpu.memory_space<vmem>>
    %dma_start3A_148 = arith.constant 0 : i32
    %dma_start3A_149 = arith.constant 0 : i32
    %dma_start3A_150 = tpu.memref_slice %arg4[%add3A, %dma_start3A_143, %dma_start3A_148, %dma_start3A_149] : memref<32x200x128x64xf32, #tpu.memory_space<hbm>> -> memref<1x1x128x64xf32, #tpu.memory_space<hbm>>
    %dma_start3A_151 = tpu.memref_squeeze %dma_start3A_150 : memref<1x1x128x64xf32, #tpu.memory_space<hbm>> -> memref<128x64xf32, #tpu.memory_space<hbm>>
    %dma_start3A_152 = arith.constant 0 : i32
    %dma_start3A_153 = arith.constant 0 : i32
    %dma_start3A_154 = tpu.memref_slice %arg4[%add3A, %dma_start3A_143, %dma_start3A_152, %dma_start3A_153] : memref<32x200x128x64xf32, #tpu.memory_space<hbm>> -> memref<1x1x128x64xf32, #tpu.memory_space<hbm>>
    %dma_start3A_155 = tpu.memref_squeeze %dma_start3A_154 : memref<1x1x128x64xf32, #tpu.memory_space<hbm>> -> memref<128x64xf32, #tpu.memory_space<hbm>>
    %dma_start3A_156 = arith.constant 0 : i32
    %dma_start3A_157 = arith.constant 0 : i32
    %dma_start3A_158 = tpu.memref_slice %arg6[%dma_start3A_142, %dma_start3A_156, %dma_start3A_157] : memref<8x128x64xf32, #tpu.memory_space<vmem>> -> memref<1x128x64xf32, #tpu.memory_space<vmem>>
    %dma_start3A_159 = tpu.memref_squeeze %dma_start3A_158 : memref<1x128x64xf32, #tpu.memory_space<vmem>> -> memref<128x64xf32, #tpu.memory_space<vmem>>
    tpu.enqueue_dma source(%dma_start3A_159 : memref<128x64xf32, #tpu.memory_space<vmem>>) target(%dma_start3A_155 : memref<128x64xf32, #tpu.memory_space<hbm>>) target_semaphore(%arg16 : memref<!tpu.dma_semaphore, #tpu.memory_space<semaphore_mem>>)
    %dma_wait3A_160 = arith.constant 194 : i32
    %dma_wait3A_161 = arith.constant 2 : i32
    %dma_wait3A_162 = arith.constant 0 : i32
    %dma_wait3A_163 = arith.constant 0 : i32
    %dma_wait3A_164 = tpu.memref_slice %arg6[%dma_wait3A_161, %dma_wait3A_162, %dma_wait3A_163] : memref<8x128x64xf32, #tpu.memory_space<vmem>> -> memref<1x128x64xf32, #tpu.memory_space<vmem>>
    %dma_wait3A_165 = tpu.memref_squeeze %dma_wait3A_164 : memref<1x128x64xf32, #tpu.memory_space<vmem>> -> memref<128x64xf32, #tpu.memory_space<vmem>>
    %dma_wait3A_166 = arith.constant 0 : i32
    %dma_wait3A_167 = tpu.memref_slice %arg5[%dma_wait3A_160, %dma_wait3A_166] : memref<200x128xi32, #tpu.memory_space<vmem>> -> memref<1x128xi32, #tpu.memory_space<vmem>>
    %dma_wait3A_168 = tpu.memref_squeeze %dma_wait3A_167 : memref<1x128xi32, #tpu.memory_space<vmem>> -> memref<128xi32, #tpu.memory_space<vmem>>
    %dma_wait3A_169 = arith.constant 0 : i32
    %dma_wait3A_170 = arith.constant 0 : i32
    %dma_wait3A_171 = tpu.memref_slice %arg3[%dma_wait3A_169, %dma_wait3A_170] : memref<1000000x64xf32, #tpu.memory_space<hbm>> -> memref<1000000x64xf32, #tpu.memory_space<hbm>>
    tpu.wait_indirect_dma semaphore(%arg9 : memref<!tpu.dma_semaphore, #tpu.memory_space<semaphore_mem>>) src(%dma_wait3A_171 : memref<1000000x64xf32, #tpu.memory_space<hbm>>) dst(%dma_wait3A_165 : memref<128x64xf32, #tpu.memory_space<vmem>>)
    %dma_start3A_172 = arith.constant 2 : i32
    %dma_start3A_173 = arith.constant 194 : i32
    %dma_start3A_174 = arith.constant 0 : i32
    %dma_start3A_175 = arith.constant 0 : i32
    %dma_start3A_176 = tpu.memref_slice %arg6[%dma_start3A_172, %dma_start3A_174, %dma_start3A_175] : memref<8x128x64xf32, #tpu.memory_space<vmem>> -> memref<1x128x64xf32, #tpu.memory_space<vmem>>
    %dma_start3A_177 = tpu.memref_squeeze %dma_start3A_176 : memref<1x128x64xf32, #tpu.memory_space<vmem>> -> memref<128x64xf32, #tpu.memory_space<vmem>>
    %dma_start3A_178 = arith.constant 0 : i32
    %dma_start3A_179 = arith.constant 0 : i32
    %dma_start3A_180 = tpu.memref_slice %arg4[%add3A, %dma_start3A_173, %dma_start3A_178, %dma_start3A_179] : memref<32x200x128x64xf32, #tpu.memory_space<hbm>> -> memref<1x1x128x64xf32, #tpu.memory_space<hbm>>
    %dma_start3A_181 = tpu.memref_squeeze %dma_start3A_180 : memref<1x1x128x64xf32, #tpu.memory_space<hbm>> -> memref<128x64xf32, #tpu.memory_space<hbm>>
    %dma_start3A_182 = arith.constant 0 : i32
    %dma_start3A_183 = arith.constant 0 : i32
    %dma_start3A_184 = tpu.memref_slice %arg4[%add3A, %dma_start3A_173, %dma_start3A_182, %dma_start3A_183] : memref<32x200x128x64xf32, #tpu.memory_space<hbm>> -> memref<1x1x128x64xf32, #tpu.memory_space<hbm>>
    %dma_start3A_185 = tpu.memref_squeeze %dma_start3A_184 : memref<1x1x128x64xf32, #tpu.memory_space<hbm>> -> memref<128x64xf32, #tpu.memory_space<hbm>>
    %dma_start3A_186 = arith.constant 0 : i32
    %dma_start3A_187 = arith.constant 0 : i32
    %dma_start3A_188 = tpu.memref_slice %arg6[%dma_start3A_172, %dma_start3A_186, %dma_start3A_187] : memref<8x128x64xf32, #tpu.memory_space<vmem>> -> memref<1x128x64xf32, #tpu.memory_space<vmem>>
    %dma_start3A_189 = tpu.memref_squeeze %dma_start3A_188 : memref<1x128x64xf32, #tpu.memory_space<vmem>> -> memref<128x64xf32, #tpu.memory_space<vmem>>
    tpu.enqueue_dma source(%dma_start3A_189 : memref<128x64xf32, #tpu.memory_space<vmem>>) target(%dma_start3A_185 : memref<128x64xf32, #tpu.memory_space<hbm>>) target_semaphore(%arg17 : memref<!tpu.dma_semaphore, #tpu.memory_space<semaphore_mem>>)
    %dma_wait3A_190 = arith.constant 195 : i32
    %dma_wait3A_191 = arith.constant 3 : i32
    %dma_wait3A_192 = arith.constant 0 : i32
    %dma_wait3A_193 = arith.constant 0 : i32
    %dma_wait3A_194 = tpu.memref_slice %arg6[%dma_wait3A_191, %dma_wait3A_192, %dma_wait3A_193] : memref<8x128x64xf32, #tpu.memory_space<vmem>> -> memref<1x128x64xf32, #tpu.memory_space<vmem>>
    %dma_wait3A_195 = tpu.memref_squeeze %dma_wait3A_194 : memref<1x128x64xf32, #tpu.memory_space<vmem>> -> memref<128x64xf32, #tpu.memory_space<vmem>>
    %dma_wait3A_196 = arith.constant 0 : i32
    %dma_wait3A_197 = tpu.memref_slice %arg5[%dma_wait3A_190, %dma_wait3A_196] : memref<200x128xi32, #tpu.memory_space<vmem>> -> memref<1x128xi32, #tpu.memory_space<vmem>>
    %dma_wait3A_198 = tpu.memref_squeeze %dma_wait3A_197 : memref<1x128xi32, #tpu.memory_space<vmem>> -> memref<128xi32, #tpu.memory_space<vmem>>
    %dma_wait3A_199 = arith.constant 0 : i32
    %dma_wait3A_200 = arith.constant 0 : i32
    %dma_wait3A_201 = tpu.memref_slice %arg3[%dma_wait3A_199, %dma_wait3A_200] : memref<1000000x64xf32, #tpu.memory_space<hbm>> -> memref<1000000x64xf32, #tpu.memory_space<hbm>>
    tpu.wait_indirect_dma semaphore(%arg10 : memref<!tpu.dma_semaphore, #tpu.memory_space<semaphore_mem>>) src(%dma_wait3A_201 : memref<1000000x64xf32, #tpu.memory_space<hbm>>) dst(%dma_wait3A_195 : memref<128x64xf32, #tpu.memory_space<vmem>>)
    %dma_start3A_202 = arith.constant 3 : i32
    %dma_start3A_203 = arith.constant 195 : i32
    %dma_start3A_204 = arith.constant 0 : i32
    %dma_start3A_205 = arith.constant 0 : i32
    %dma_start3A_206 = tpu.memref_slice %arg6[%dma_start3A_202, %dma_start3A_204, %dma_start3A_205] : memref<8x128x64xf32, #tpu.memory_space<vmem>> -> memref<1x128x64xf32, #tpu.memory_space<vmem>>
    %dma_start3A_207 = tpu.memref_squeeze %dma_start3A_206 : memref<1x128x64xf32, #tpu.memory_space<vmem>> -> memref<128x64xf32, #tpu.memory_space<vmem>>
    %dma_start3A_208 = arith.constant 0 : i32
    %dma_start3A_209 = arith.constant 0 : i32
    %dma_start3A_210 = tpu.memref_slice %arg4[%add3A, %dma_start3A_203, %dma_start3A_208, %dma_start3A_209] : memref<32x200x128x64xf32, #tpu.memory_space<hbm>> -> memref<1x1x128x64xf32, #tpu.memory_space<hbm>>
    %dma_start3A_211 = tpu.memref_squeeze %dma_start3A_210 : memref<1x1x128x64xf32, #tpu.memory_space<hbm>> -> memref<128x64xf32, #tpu.memory_space<hbm>>
    %dma_start3A_212 = arith.constant 0 : i32
    %dma_start3A_213 = arith.constant 0 : i32
    %dma_start3A_214 = tpu.memref_slice %arg4[%add3A, %dma_start3A_203, %dma_start3A_212, %dma_start3A_213] : memref<32x200x128x64xf32, #tpu.memory_space<hbm>> -> memref<1x1x128x64xf32, #tpu.memory_space<hbm>>
    %dma_start3A_215 = tpu.memref_squeeze %dma_start3A_214 : memref<1x1x128x64xf32, #tpu.memory_space<hbm>> -> memref<128x64xf32, #tpu.memory_space<hbm>>
    %dma_start3A_216 = arith.constant 0 : i32
    %dma_start3A_217 = arith.constant 0 : i32
    %dma_start3A_218 = tpu.memref_slice %arg6[%dma_start3A_202, %dma_start3A_216, %dma_start3A_217] : memref<8x128x64xf32, #tpu.memory_space<vmem>> -> memref<1x128x64xf32, #tpu.memory_space<vmem>>
    %dma_start3A_219 = tpu.memref_squeeze %dma_start3A_218 : memref<1x128x64xf32, #tpu.memory_space<vmem>> -> memref<128x64xf32, #tpu.memory_space<vmem>>
    tpu.enqueue_dma source(%dma_start3A_219 : memref<128x64xf32, #tpu.memory_space<vmem>>) target(%dma_start3A_215 : memref<128x64xf32, #tpu.memory_space<hbm>>) target_semaphore(%arg18 : memref<!tpu.dma_semaphore, #tpu.memory_space<semaphore_mem>>)
    %dma_wait3A_220 = arith.constant 196 : i32
    %dma_wait3A_221 = arith.constant 4 : i32
    %dma_wait3A_222 = arith.constant 0 : i32
    %dma_wait3A_223 = arith.constant 0 : i32
    %dma_wait3A_224 = tpu.memref_slice %arg6[%dma_wait3A_221, %dma_wait3A_222, %dma_wait3A_223] : memref<8x128x64xf32, #tpu.memory_space<vmem>> -> memref<1x128x64xf32, #tpu.memory_space<vmem>>
    %dma_wait3A_225 = tpu.memref_squeeze %dma_wait3A_224 : memref<1x128x64xf32, #tpu.memory_space<vmem>> -> memref<128x64xf32, #tpu.memory_space<vmem>>
    %dma_wait3A_226 = arith.constant 0 : i32
    %dma_wait3A_227 = tpu.memref_slice %arg5[%dma_wait3A_220, %dma_wait3A_226] : memref<200x128xi32, #tpu.memory_space<vmem>> -> memref<1x128xi32, #tpu.memory_space<vmem>>
    %dma_wait3A_228 = tpu.memref_squeeze %dma_wait3A_227 : memref<1x128xi32, #tpu.memory_space<vmem>> -> memref<128xi32, #tpu.memory_space<vmem>>
    %dma_wait3A_229 = arith.constant 0 : i32
    %dma_wait3A_230 = arith.constant 0 : i32
    %dma_wait3A_231 = tpu.memref_slice %arg3[%dma_wait3A_229, %dma_wait3A_230] : memref<1000000x64xf32, #tpu.memory_space<hbm>> -> memref<1000000x64xf32, #tpu.memory_space<hbm>>
    tpu.wait_indirect_dma semaphore(%arg11 : memref<!tpu.dma_semaphore, #tpu.memory_space<semaphore_mem>>) src(%dma_wait3A_231 : memref<1000000x64xf32, #tpu.memory_space<hbm>>) dst(%dma_wait3A_225 : memref<128x64xf32, #tpu.memory_space<vmem>>)
    %dma_start3A_232 = arith.constant 4 : i32
    %dma_start3A_233 = arith.constant 196 : i32
    %dma_start3A_234 = arith.constant 0 : i32
    %dma_start3A_235 = arith.constant 0 : i32
    %dma_start3A_236 = tpu.memref_slice %arg6[%dma_start3A_232, %dma_start3A_234, %dma_start3A_235] : memref<8x128x64xf32, #tpu.memory_space<vmem>> -> memref<1x128x64xf32, #tpu.memory_space<vmem>>
    %dma_start3A_237 = tpu.memref_squeeze %dma_start3A_236 : memref<1x128x64xf32, #tpu.memory_space<vmem>> -> memref<128x64xf32, #tpu.memory_space<vmem>>
    %dma_start3A_238 = arith.constant 0 : i32
    %dma_start3A_239 = arith.constant 0 : i32
    %dma_start3A_240 = tpu.memref_slice %arg4[%add3A, %dma_start3A_233, %dma_start3A_238, %dma_start3A_239] : memref<32x200x128x64xf32, #tpu.memory_space<hbm>> -> memref<1x1x128x64xf32, #tpu.memory_space<hbm>>
    %dma_start3A_241 = tpu.memref_squeeze %dma_start3A_240 : memref<1x1x128x64xf32, #tpu.memory_space<hbm>> -> memref<128x64xf32, #tpu.memory_space<hbm>>
    %dma_start3A_242 = arith.constant 0 : i32
    %dma_start3A_243 = arith.constant 0 : i32
    %dma_start3A_244 = tpu.memref_slice %arg4[%add3A, %dma_start3A_233, %dma_start3A_242, %dma_start3A_243] : memref<32x200x128x64xf32, #tpu.memory_space<hbm>> -> memref<1x1x128x64xf32, #tpu.memory_space<hbm>>
    %dma_start3A_245 = tpu.memref_squeeze %dma_start3A_244 : memref<1x1x128x64xf32, #tpu.memory_space<hbm>> -> memref<128x64xf32, #tpu.memory_space<hbm>>
    %dma_start3A_246 = arith.constant 0 : i32
    %dma_start3A_247 = arith.constant 0 : i32
    %dma_start3A_248 = tpu.memref_slice %arg6[%dma_start3A_232, %dma_start3A_246, %dma_start3A_247] : memref<8x128x64xf32, #tpu.memory_space<vmem>> -> memref<1x128x64xf32, #tpu.memory_space<vmem>>
    %dma_start3A_249 = tpu.memref_squeeze %dma_start3A_248 : memref<1x128x64xf32, #tpu.memory_space<vmem>> -> memref<128x64xf32, #tpu.memory_space<vmem>>
    tpu.enqueue_dma source(%dma_start3A_249 : memref<128x64xf32, #tpu.memory_space<vmem>>) target(%dma_start3A_245 : memref<128x64xf32, #tpu.memory_space<hbm>>) target_semaphore(%arg19 : memref<!tpu.dma_semaphore, #tpu.memory_space<semaphore_mem>>)
    %dma_wait3A_250 = arith.constant 197 : i32
    %dma_wait3A_251 = arith.constant 5 : i32
    %dma_wait3A_252 = arith.constant 0 : i32
    %dma_wait3A_253 = arith.constant 0 : i32
    %dma_wait3A_254 = tpu.memref_slice %arg6[%dma_wait3A_251, %dma_wait3A_252, %dma_wait3A_253] : memref<8x128x64xf32, #tpu.memory_space<vmem>> -> memref<1x128x64xf32, #tpu.memory_space<vmem>>
    %dma_wait3A_255 = tpu.memref_squeeze %dma_wait3A_254 : memref<1x128x64xf32, #tpu.memory_space<vmem>> -> memref<128x64xf32, #tpu.memory_space<vmem>>
    %dma_wait3A_256 = arith.constant 0 : i32
    %dma_wait3A_257 = tpu.memref_slice %arg5[%dma_wait3A_250, %dma_wait3A_256] : memref<200x128xi32, #tpu.memory_space<vmem>> -> memref<1x128xi32, #tpu.memory_space<vmem>>
    %dma_wait3A_258 = tpu.memref_squeeze %dma_wait3A_257 : memref<1x128xi32, #tpu.memory_space<vmem>> -> memref<128xi32, #tpu.memory_space<vmem>>
    %dma_wait3A_259 = arith.constant 0 : i32
    %dma_wait3A_260 = arith.constant 0 : i32
    %dma_wait3A_261 = tpu.memref_slice %arg3[%dma_wait3A_259, %dma_wait3A_260] : memref<1000000x64xf32, #tpu.memory_space<hbm>> -> memref<1000000x64xf32, #tpu.memory_space<hbm>>
    tpu.wait_indirect_dma semaphore(%arg12 : memref<!tpu.dma_semaphore, #tpu.memory_space<semaphore_mem>>) src(%dma_wait3A_261 : memref<1000000x64xf32, #tpu.memory_space<hbm>>) dst(%dma_wait3A_255 : memref<128x64xf32, #tpu.memory_space<vmem>>)
    %dma_start3A_262 = arith.constant 5 : i32
    %dma_start3A_263 = arith.constant 197 : i32
    %dma_start3A_264 = arith.constant 0 : i32
    %dma_start3A_265 = arith.constant 0 : i32
    %dma_start3A_266 = tpu.memref_slice %arg6[%dma_start3A_262, %dma_start3A_264, %dma_start3A_265] : memref<8x128x64xf32, #tpu.memory_space<vmem>> -> memref<1x128x64xf32, #tpu.memory_space<vmem>>
    %dma_start3A_267 = tpu.memref_squeeze %dma_start3A_266 : memref<1x128x64xf32, #tpu.memory_space<vmem>> -> memref<128x64xf32, #tpu.memory_space<vmem>>
    %dma_start3A_268 = arith.constant 0 : i32
    %dma_start3A_269 = arith.constant 0 : i32
    %dma_start3A_270 = tpu.memref_slice %arg4[%add3A, %dma_start3A_263, %dma_start3A_268, %dma_start3A_269] : memref<32x200x128x64xf32, #tpu.memory_space<hbm>> -> memref<1x1x128x64xf32, #tpu.memory_space<hbm>>
    %dma_start3A_271 = tpu.memref_squeeze %dma_start3A_270 : memref<1x1x128x64xf32, #tpu.memory_space<hbm>> -> memref<128x64xf32, #tpu.memory_space<hbm>>
    %dma_start3A_272 = arith.constant 0 : i32
    %dma_start3A_273 = arith.constant 0 : i32
    %dma_start3A_274 = tpu.memref_slice %arg4[%add3A, %dma_start3A_263, %dma_start3A_272, %dma_start3A_273] : memref<32x200x128x64xf32, #tpu.memory_space<hbm>> -> memref<1x1x128x64xf32, #tpu.memory_space<hbm>>
    %dma_start3A_275 = tpu.memref_squeeze %dma_start3A_274 : memref<1x1x128x64xf32, #tpu.memory_space<hbm>> -> memref<128x64xf32, #tpu.memory_space<hbm>>
    %dma_start3A_276 = arith.constant 0 : i32
    %dma_start3A_277 = arith.constant 0 : i32
    %dma_start3A_278 = tpu.memref_slice %arg6[%dma_start3A_262, %dma_start3A_276, %dma_start3A_277] : memref<8x128x64xf32, #tpu.memory_space<vmem>> -> memref<1x128x64xf32, #tpu.memory_space<vmem>>
    %dma_start3A_279 = tpu.memref_squeeze %dma_start3A_278 : memref<1x128x64xf32, #tpu.memory_space<vmem>> -> memref<128x64xf32, #tpu.memory_space<vmem>>
    tpu.enqueue_dma source(%dma_start3A_279 : memref<128x64xf32, #tpu.memory_space<vmem>>) target(%dma_start3A_275 : memref<128x64xf32, #tpu.memory_space<hbm>>) target_semaphore(%arg20 : memref<!tpu.dma_semaphore, #tpu.memory_space<semaphore_mem>>)
    %dma_wait3A_280 = arith.constant 198 : i32
    %dma_wait3A_281 = arith.constant 6 : i32
    %dma_wait3A_282 = arith.constant 0 : i32
    %dma_wait3A_283 = arith.constant 0 : i32
    %dma_wait3A_284 = tpu.memref_slice %arg6[%dma_wait3A_281, %dma_wait3A_282, %dma_wait3A_283] : memref<8x128x64xf32, #tpu.memory_space<vmem>> -> memref<1x128x64xf32, #tpu.memory_space<vmem>>
    %dma_wait3A_285 = tpu.memref_squeeze %dma_wait3A_284 : memref<1x128x64xf32, #tpu.memory_space<vmem>> -> memref<128x64xf32, #tpu.memory_space<vmem>>
    %dma_wait3A_286 = arith.constant 0 : i32
    %dma_wait3A_287 = tpu.memref_slice %arg5[%dma_wait3A_280, %dma_wait3A_286] : memref<200x128xi32, #tpu.memory_space<vmem>> -> memref<1x128xi32, #tpu.memory_space<vmem>>
    %dma_wait3A_288 = tpu.memref_squeeze %dma_wait3A_287 : memref<1x128xi32, #tpu.memory_space<vmem>> -> memref<128xi32, #tpu.memory_space<vmem>>
    %dma_wait3A_289 = arith.constant 0 : i32
    %dma_wait3A_290 = arith.constant 0 : i32
    %dma_wait3A_291 = tpu.memref_slice %arg3[%dma_wait3A_289, %dma_wait3A_290] : memref<1000000x64xf32, #tpu.memory_space<hbm>> -> memref<1000000x64xf32, #tpu.memory_space<hbm>>
    tpu.wait_indirect_dma semaphore(%arg13 : memref<!tpu.dma_semaphore, #tpu.memory_space<semaphore_mem>>) src(%dma_wait3A_291 : memref<1000000x64xf32, #tpu.memory_space<hbm>>) dst(%dma_wait3A_285 : memref<128x64xf32, #tpu.memory_space<vmem>>)
    %dma_start3A_292 = arith.constant 6 : i32
    %dma_start3A_293 = arith.constant 198 : i32
    %dma_start3A_294 = arith.constant 0 : i32
    %dma_start3A_295 = arith.constant 0 : i32
    %dma_start3A_296 = tpu.memref_slice %arg6[%dma_start3A_292, %dma_start3A_294, %dma_start3A_295] : memref<8x128x64xf32, #tpu.memory_space<vmem>> -> memref<1x128x64xf32, #tpu.memory_space<vmem>>
    %dma_start3A_297 = tpu.memref_squeeze %dma_start3A_296 : memref<1x128x64xf32, #tpu.memory_space<vmem>> -> memref<128x64xf32, #tpu.memory_space<vmem>>
    %dma_start3A_298 = arith.constant 0 : i32
    %dma_start3A_299 = arith.constant 0 : i32
    %dma_start3A_300 = tpu.memref_slice %arg4[%add3A, %dma_start3A_293, %dma_start3A_298, %dma_start3A_299] : memref<32x200x128x64xf32, #tpu.memory_space<hbm>> -> memref<1x1x128x64xf32, #tpu.memory_space<hbm>>
    %dma_start3A_301 = tpu.memref_squeeze %dma_start3A_300 : memref<1x1x128x64xf32, #tpu.memory_space<hbm>> -> memref<128x64xf32, #tpu.memory_space<hbm>>
    %dma_start3A_302 = arith.constant 0 : i32
    %dma_start3A_303 = arith.constant 0 : i32
    %dma_start3A_304 = tpu.memref_slice %arg4[%add3A, %dma_start3A_293, %dma_start3A_302, %dma_start3A_303] : memref<32x200x128x64xf32, #tpu.memory_space<hbm>> -> memref<1x1x128x64xf32, #tpu.memory_space<hbm>>
    %dma_start3A_305 = tpu.memref_squeeze %dma_start3A_304 : memref<1x1x128x64xf32, #tpu.memory_space<hbm>> -> memref<128x64xf32, #tpu.memory_space<hbm>>
    %dma_start3A_306 = arith.constant 0 : i32
    %dma_start3A_307 = arith.constant 0 : i32
    %dma_start3A_308 = tpu.memref_slice %arg6[%dma_start3A_292, %dma_start3A_306, %dma_start3A_307] : memref<8x128x64xf32, #tpu.memory_space<vmem>> -> memref<1x128x64xf32, #tpu.memory_space<vmem>>
    %dma_start3A_309 = tpu.memref_squeeze %dma_start3A_308 : memref<1x128x64xf32, #tpu.memory_space<vmem>> -> memref<128x64xf32, #tpu.memory_space<vmem>>
    tpu.enqueue_dma source(%dma_start3A_309 : memref<128x64xf32, #tpu.memory_space<vmem>>) target(%dma_start3A_305 : memref<128x64xf32, #tpu.memory_space<hbm>>) target_semaphore(%arg21 : memref<!tpu.dma_semaphore, #tpu.memory_space<semaphore_mem>>)
    %dma_wait3A_310 = arith.constant 199 : i32
    %dma_wait3A_311 = arith.constant 7 : i32
    %dma_wait3A_312 = arith.constant 0 : i32
    %dma_wait3A_313 = arith.constant 0 : i32
    %dma_wait3A_314 = tpu.memref_slice %arg6[%dma_wait3A_311, %dma_wait3A_312, %dma_wait3A_313] : memref<8x128x64xf32, #tpu.memory_space<vmem>> -> memref<1x128x64xf32, #tpu.memory_space<vmem>>
    %dma_wait3A_315 = tpu.memref_squeeze %dma_wait3A_314 : memref<1x128x64xf32, #tpu.memory_space<vmem>> -> memref<128x64xf32, #tpu.memory_space<vmem>>
    %dma_wait3A_316 = arith.constant 0 : i32
    %dma_wait3A_317 = tpu.memref_slice %arg5[%dma_wait3A_310, %dma_wait3A_316] : memref<200x128xi32, #tpu.memory_space<vmem>> -> memref<1x128xi32, #tpu.memory_space<vmem>>
    %dma_wait3A_318 = tpu.memref_squeeze %dma_wait3A_317 : memref<1x128xi32, #tpu.memory_space<vmem>> -> memref<128xi32, #tpu.memory_space<vmem>>
    %dma_wait3A_319 = arith.constant 0 : i32
    %dma_wait3A_320 = arith.constant 0 : i32
    %dma_wait3A_321 = tpu.memref_slice %arg3[%dma_wait3A_319, %dma_wait3A_320] : memref<1000000x64xf32, #tpu.memory_space<hbm>> -> memref<1000000x64xf32, #tpu.memory_space<hbm>>
    tpu.wait_indirect_dma semaphore(%arg14 : memref<!tpu.dma_semaphore, #tpu.memory_space<semaphore_mem>>) src(%dma_wait3A_321 : memref<1000000x64xf32, #tpu.memory_space<hbm>>) dst(%dma_wait3A_315 : memref<128x64xf32, #tpu.memory_space<vmem>>)
    %dma_start3A_322 = arith.constant 7 : i32
    %dma_start3A_323 = arith.constant 199 : i32
    %dma_start3A_324 = arith.constant 0 : i32
    %dma_start3A_325 = arith.constant 0 : i32
    %dma_start3A_326 = tpu.memref_slice %arg6[%dma_start3A_322, %dma_start3A_324, %dma_start3A_325] : memref<8x128x64xf32, #tpu.memory_space<vmem>> -> memref<1x128x64xf32, #tpu.memory_space<vmem>>
    %dma_start3A_327 = tpu.memref_squeeze %dma_start3A_326 : memref<1x128x64xf32, #tpu.memory_space<vmem>> -> memref<128x64xf32, #tpu.memory_space<vmem>>
    %dma_start3A_328 = arith.constant 0 : i32
    %dma_start3A_329 = arith.constant 0 : i32
    %dma_start3A_330 = tpu.memref_slice %arg4[%add3A, %dma_start3A_323, %dma_start3A_328, %dma_start3A_329] : memref<32x200x128x64xf32, #tpu.memory_space<hbm>> -> memref<1x1x128x64xf32, #tpu.memory_space<hbm>>
    %dma_start3A_331 = tpu.memref_squeeze %dma_start3A_330 : memref<1x1x128x64xf32, #tpu.memory_space<hbm>> -> memref<128x64xf32, #tpu.memory_space<hbm>>
    %dma_start3A_332 = arith.constant 0 : i32
    %dma_start3A_333 = arith.constant 0 : i32
    %dma_start3A_334 = tpu.memref_slice %arg4[%add3A, %dma_start3A_323, %dma_start3A_332, %dma_start3A_333] : memref<32x200x128x64xf32, #tpu.memory_space<hbm>> -> memref<1x1x128x64xf32, #tpu.memory_space<hbm>>
    %dma_start3A_335 = tpu.memref_squeeze %dma_start3A_334 : memref<1x1x128x64xf32, #tpu.memory_space<hbm>> -> memref<128x64xf32, #tpu.memory_space<hbm>>
    %dma_start3A_336 = arith.constant 0 : i32
    %dma_start3A_337 = arith.constant 0 : i32
    %dma_start3A_338 = tpu.memref_slice %arg6[%dma_start3A_322, %dma_start3A_336, %dma_start3A_337] : memref<8x128x64xf32, #tpu.memory_space<vmem>> -> memref<1x128x64xf32, #tpu.memory_space<vmem>>
    %dma_start3A_339 = tpu.memref_squeeze %dma_start3A_338 : memref<1x128x64xf32, #tpu.memory_space<vmem>> -> memref<128x64xf32, #tpu.memory_space<vmem>>
    tpu.enqueue_dma source(%dma_start3A_339 : memref<128x64xf32, #tpu.memory_space<vmem>>) target(%dma_start3A_335 : memref<128x64xf32, #tpu.memory_space<hbm>>) target_semaphore(%arg22 : memref<!tpu.dma_semaphore, #tpu.memory_space<semaphore_mem>>)
    %dma_wait3A_340 = arith.constant 0 : i32
    %dma_wait3A_341 = arith.constant 192 : i32
    %dma_wait3A_342 = arith.constant 0 : i32
    %dma_wait3A_343 = arith.constant 0 : i32
    %dma_wait3A_344 = tpu.memref_slice %arg6[%dma_wait3A_340, %dma_wait3A_342, %dma_wait3A_343] : memref<8x128x64xf32, #tpu.memory_space<vmem>> -> memref<1x128x64xf32, #tpu.memory_space<vmem>>
    %dma_wait3A_345 = tpu.memref_squeeze %dma_wait3A_344 : memref<1x128x64xf32, #tpu.memory_space<vmem>> -> memref<128x64xf32, #tpu.memory_space<vmem>>
    %dma_wait3A_346 = arith.constant 0 : i32
    %dma_wait3A_347 = arith.constant 0 : i32
    %dma_wait3A_348 = tpu.memref_slice %arg4[%add3A, %dma_wait3A_341, %dma_wait3A_346, %dma_wait3A_347] : memref<32x200x128x64xf32, #tpu.memory_space<hbm>> -> memref<1x1x128x64xf32, #tpu.memory_space<hbm>>
    %dma_wait3A_349 = tpu.memref_squeeze %dma_wait3A_348 : memref<1x1x128x64xf32, #tpu.memory_space<hbm>> -> memref<128x64xf32, #tpu.memory_space<hbm>>
    %dma_wait3A_350 = arith.constant 0 : i32
    %dma_wait3A_351 = arith.constant 0 : i32
    %dma_wait3A_352 = tpu.memref_slice %arg4[%add3A, %dma_wait3A_341, %dma_wait3A_350, %dma_wait3A_351] : memref<32x200x128x64xf32, #tpu.memory_space<hbm>> -> memref<1x1x128x64xf32, #tpu.memory_space<hbm>>
    %dma_wait3A_353 = tpu.memref_squeeze %dma_wait3A_352 : memref<1x1x128x64xf32, #tpu.memory_space<hbm>> -> memref<128x64xf32, #tpu.memory_space<hbm>>
    %dma_wait3A_354 = arith.constant 0 : i32
    %dma_wait3A_355 = arith.constant 0 : i32
    %dma_wait3A_356 = tpu.memref_slice %arg6[%dma_wait3A_340, %dma_wait3A_354, %dma_wait3A_355] : memref<8x128x64xf32, #tpu.memory_space<vmem>> -> memref<1x128x64xf32, #tpu.memory_space<vmem>>
    %dma_wait3A_357 = tpu.memref_squeeze %dma_wait3A_356 : memref<1x128x64xf32, #tpu.memory_space<vmem>> -> memref<128x64xf32, #tpu.memory_space<vmem>>
    tpu.wait_dma2 semaphore(%arg15 : memref<!tpu.dma_semaphore, #tpu.memory_space<semaphore_mem>>) src(%dma_wait3A_357 : memref<128x64xf32, #tpu.memory_space<vmem>>) dst(%dma_wait3A_353 : memref<128x64xf32, #tpu.memory_space<hbm>>)
    %dma_wait3A_358 = arith.constant 1 : i32
    %dma_wait3A_359 = arith.constant 193 : i32
    %dma_wait3A_360 = arith.constant 0 : i32
    %dma_wait3A_361 = arith.constant 0 : i32
    %dma_wait3A_362 = tpu.memref_slice %arg6[%dma_wait3A_358, %dma_wait3A_360, %dma_wait3A_361] : memref<8x128x64xf32, #tpu.memory_space<vmem>> -> memref<1x128x64xf32, #tpu.memory_space<vmem>>
    %dma_wait3A_363 = tpu.memref_squeeze %dma_wait3A_362 : memref<1x128x64xf32, #tpu.memory_space<vmem>> -> memref<128x64xf32, #tpu.memory_space<vmem>>
    %dma_wait3A_364 = arith.constant 0 : i32
    %dma_wait3A_365 = arith.constant 0 : i32
    %dma_wait3A_366 = tpu.memref_slice %arg4[%add3A, %dma_wait3A_359, %dma_wait3A_364, %dma_wait3A_365] : memref<32x200x128x64xf32, #tpu.memory_space<hbm>> -> memref<1x1x128x64xf32, #tpu.memory_space<hbm>>
    %dma_wait3A_367 = tpu.memref_squeeze %dma_wait3A_366 : memref<1x1x128x64xf32, #tpu.memory_space<hbm>> -> memref<128x64xf32, #tpu.memory_space<hbm>>
    %dma_wait3A_368 = arith.constant 0 : i32
    %dma_wait3A_369 = arith.constant 0 : i32
    %dma_wait3A_370 = tpu.memref_slice %arg4[%add3A, %dma_wait3A_359, %dma_wait3A_368, %dma_wait3A_369] : memref<32x200x128x64xf32, #tpu.memory_space<hbm>> -> memref<1x1x128x64xf32, #tpu.memory_space<hbm>>
    %dma_wait3A_371 = tpu.memref_squeeze %dma_wait3A_370 : memref<1x1x128x64xf32, #tpu.memory_space<hbm>> -> memref<128x64xf32, #tpu.memory_space<hbm>>
    %dma_wait3A_372 = arith.constant 0 : i32
    %dma_wait3A_373 = arith.constant 0 : i32
    %dma_wait3A_374 = tpu.memref_slice %arg6[%dma_wait3A_358, %dma_wait3A_372, %dma_wait3A_373] : memref<8x128x64xf32, #tpu.memory_space<vmem>> -> memref<1x128x64xf32, #tpu.memory_space<vmem>>
    %dma_wait3A_375 = tpu.memref_squeeze %dma_wait3A_374 : memref<1x128x64xf32, #tpu.memory_space<vmem>> -> memref<128x64xf32, #tpu.memory_space<vmem>>
    tpu.wait_dma2 semaphore(%arg16 : memref<!tpu.dma_semaphore, #tpu.memory_space<semaphore_mem>>) src(%dma_wait3A_375 : memref<128x64xf32, #tpu.memory_space<vmem>>) dst(%dma_wait3A_371 : memref<128x64xf32, #tpu.memory_space<hbm>>)
    %dma_wait3A_376 = arith.constant 2 : i32
    %dma_wait3A_377 = arith.constant 194 : i32
    %dma_wait3A_378 = arith.constant 0 : i32
    %dma_wait3A_379 = arith.constant 0 : i32
    %dma_wait3A_380 = tpu.memref_slice %arg6[%dma_wait3A_376, %dma_wait3A_378, %dma_wait3A_379] : memref<8x128x64xf32, #tpu.memory_space<vmem>> -> memref<1x128x64xf32, #tpu.memory_space<vmem>>
    %dma_wait3A_381 = tpu.memref_squeeze %dma_wait3A_380 : memref<1x128x64xf32, #tpu.memory_space<vmem>> -> memref<128x64xf32, #tpu.memory_space<vmem>>
    %dma_wait3A_382 = arith.constant 0 : i32
    %dma_wait3A_383 = arith.constant 0 : i32
    %dma_wait3A_384 = tpu.memref_slice %arg4[%add3A, %dma_wait3A_377, %dma_wait3A_382, %dma_wait3A_383] : memref<32x200x128x64xf32, #tpu.memory_space<hbm>> -> memref<1x1x128x64xf32, #tpu.memory_space<hbm>>
    %dma_wait3A_385 = tpu.memref_squeeze %dma_wait3A_384 : memref<1x1x128x64xf32, #tpu.memory_space<hbm>> -> memref<128x64xf32, #tpu.memory_space<hbm>>
    %dma_wait3A_386 = arith.constant 0 : i32
    %dma_wait3A_387 = arith.constant 0 : i32
    %dma_wait3A_388 = tpu.memref_slice %arg4[%add3A, %dma_wait3A_377, %dma_wait3A_386, %dma_wait3A_387] : memref<32x200x128x64xf32, #tpu.memory_space<hbm>> -> memref<1x1x128x64xf32, #tpu.memory_space<hbm>>
    %dma_wait3A_389 = tpu.memref_squeeze %dma_wait3A_388 : memref<1x1x128x64xf32, #tpu.memory_space<hbm>> -> memref<128x64xf32, #tpu.memory_space<hbm>>
    %dma_wait3A_390 = arith.constant 0 : i32
    %dma_wait3A_391 = arith.constant 0 : i32
    %dma_wait3A_392 = tpu.memref_slice %arg6[%dma_wait3A_376, %dma_wait3A_390, %dma_wait3A_391] : memref<8x128x64xf32, #tpu.memory_space<vmem>> -> memref<1x128x64xf32, #tpu.memory_space<vmem>>
    %dma_wait3A_393 = tpu.memref_squeeze %dma_wait3A_392 : memref<1x128x64xf32, #tpu.memory_space<vmem>> -> memref<128x64xf32, #tpu.memory_space<vmem>>
    tpu.wait_dma2 semaphore(%arg17 : memref<!tpu.dma_semaphore, #tpu.memory_space<semaphore_mem>>) src(%dma_wait3A_393 : memref<128x64xf32, #tpu.memory_space<vmem>>) dst(%dma_wait3A_389 : memref<128x64xf32, #tpu.memory_space<hbm>>)
    %dma_wait3A_394 = arith.constant 3 : i32
    %dma_wait3A_395 = arith.constant 195 : i32
    %dma_wait3A_396 = arith.constant 0 : i32
    %dma_wait3A_397 = arith.constant 0 : i32
    %dma_wait3A_398 = tpu.memref_slice %arg6[%dma_wait3A_394, %dma_wait3A_396, %dma_wait3A_397] : memref<8x128x64xf32, #tpu.memory_space<vmem>> -> memref<1x128x64xf32, #tpu.memory_space<vmem>>
    %dma_wait3A_399 = tpu.memref_squeeze %dma_wait3A_398 : memref<1x128x64xf32, #tpu.memory_space<vmem>> -> memref<128x64xf32, #tpu.memory_space<vmem>>
    %dma_wait3A_400 = arith.constant 0 : i32
    %dma_wait3A_401 = arith.constant 0 : i32
    %dma_wait3A_402 = tpu.memref_slice %arg4[%add3A, %dma_wait3A_395, %dma_wait3A_400, %dma_wait3A_401] : memref<32x200x128x64xf32, #tpu.memory_space<hbm>> -> memref<1x1x128x64xf32, #tpu.memory_space<hbm>>
    %dma_wait3A_403 = tpu.memref_squeeze %dma_wait3A_402 : memref<1x1x128x64xf32, #tpu.memory_space<hbm>> -> memref<128x64xf32, #tpu.memory_space<hbm>>
    %dma_wait3A_404 = arith.constant 0 : i32
    %dma_wait3A_405 = arith.constant 0 : i32
    %dma_wait3A_406 = tpu.memref_slice %arg4[%add3A, %dma_wait3A_395, %dma_wait3A_404, %dma_wait3A_405] : memref<32x200x128x64xf32, #tpu.memory_space<hbm>> -> memref<1x1x128x64xf32, #tpu.memory_space<hbm>>
    %dma_wait3A_407 = tpu.memref_squeeze %dma_wait3A_406 : memref<1x1x128x64xf32, #tpu.memory_space<hbm>> -> memref<128x64xf32, #tpu.memory_space<hbm>>
    %dma_wait3A_408 = arith.constant 0 : i32
    %dma_wait3A_409 = arith.constant 0 : i32
    %dma_wait3A_410 = tpu.memref_slice %arg6[%dma_wait3A_394, %dma_wait3A_408, %dma_wait3A_409] : memref<8x128x64xf32, #tpu.memory_space<vmem>> -> memref<1x128x64xf32, #tpu.memory_space<vmem>>
    %dma_wait3A_411 = tpu.memref_squeeze %dma_wait3A_410 : memref<1x128x64xf32, #tpu.memory_space<vmem>> -> memref<128x64xf32, #tpu.memory_space<vmem>>
    tpu.wait_dma2 semaphore(%arg18 : memref<!tpu.dma_semaphore, #tpu.memory_space<semaphore_mem>>) src(%dma_wait3A_411 : memref<128x64xf32, #tpu.memory_space<vmem>>) dst(%dma_wait3A_407 : memref<128x64xf32, #tpu.memory_space<hbm>>)
    %dma_wait3A_412 = arith.constant 4 : i32
    %dma_wait3A_413 = arith.constant 196 : i32
    %dma_wait3A_414 = arith.constant 0 : i32
    %dma_wait3A_415 = arith.constant 0 : i32
    %dma_wait3A_416 = tpu.memref_slice %arg6[%dma_wait3A_412, %dma_wait3A_414, %dma_wait3A_415] : memref<8x128x64xf32, #tpu.memory_space<vmem>> -> memref<1x128x64xf32, #tpu.memory_space<vmem>>
    %dma_wait3A_417 = tpu.memref_squeeze %dma_wait3A_416 : memref<1x128x64xf32, #tpu.memory_space<vmem>> -> memref<128x64xf32, #tpu.memory_space<vmem>>
    %dma_wait3A_418 = arith.constant 0 : i32
    %dma_wait3A_419 = arith.constant 0 : i32
    %dma_wait3A_420 = tpu.memref_slice %arg4[%add3A, %dma_wait3A_413, %dma_wait3A_418, %dma_wait3A_419] : memref<32x200x128x64xf32, #tpu.memory_space<hbm>> -> memref<1x1x128x64xf32, #tpu.memory_space<hbm>>
    %dma_wait3A_421 = tpu.memref_squeeze %dma_wait3A_420 : memref<1x1x128x64xf32, #tpu.memory_space<hbm>> -> memref<128x64xf32, #tpu.memory_space<hbm>>
    %dma_wait3A_422 = arith.constant 0 : i32
    %dma_wait3A_423 = arith.constant 0 : i32
    %dma_wait3A_424 = tpu.memref_slice %arg4[%add3A, %dma_wait3A_413, %dma_wait3A_422, %dma_wait3A_423] : memref<32x200x128x64xf32, #tpu.memory_space<hbm>> -> memref<1x1x128x64xf32, #tpu.memory_space<hbm>>
    %dma_wait3A_425 = tpu.memref_squeeze %dma_wait3A_424 : memref<1x1x128x64xf32, #tpu.memory_space<hbm>> -> memref<128x64xf32, #tpu.memory_space<hbm>>
    %dma_wait3A_426 = arith.constant 0 : i32
    %dma_wait3A_427 = arith.constant 0 : i32
    %dma_wait3A_428 = tpu.memref_slice %arg6[%dma_wait3A_412, %dma_wait3A_426, %dma_wait3A_427] : memref<8x128x64xf32, #tpu.memory_space<vmem>> -> memref<1x128x64xf32, #tpu.memory_space<vmem>>
    %dma_wait3A_429 = tpu.memref_squeeze %dma_wait3A_428 : memref<1x128x64xf32, #tpu.memory_space<vmem>> -> memref<128x64xf32, #tpu.memory_space<vmem>>
    tpu.wait_dma2 semaphore(%arg19 : memref<!tpu.dma_semaphore, #tpu.memory_space<semaphore_mem>>) src(%dma_wait3A_429 : memref<128x64xf32, #tpu.memory_space<vmem>>) dst(%dma_wait3A_425 : memref<128x64xf32, #tpu.memory_space<hbm>>)
    %dma_wait3A_430 = arith.constant 5 : i32
    %dma_wait3A_431 = arith.constant 197 : i32
    %dma_wait3A_432 = arith.constant 0 : i32
    %dma_wait3A_433 = arith.constant 0 : i32
    %dma_wait3A_434 = tpu.memref_slice %arg6[%dma_wait3A_430, %dma_wait3A_432, %dma_wait3A_433] : memref<8x128x64xf32, #tpu.memory_space<vmem>> -> memref<1x128x64xf32, #tpu.memory_space<vmem>>
    %dma_wait3A_435 = tpu.memref_squeeze %dma_wait3A_434 : memref<1x128x64xf32, #tpu.memory_space<vmem>> -> memref<128x64xf32, #tpu.memory_space<vmem>>
    %dma_wait3A_436 = arith.constant 0 : i32
    %dma_wait3A_437 = arith.constant 0 : i32
    %dma_wait3A_438 = tpu.memref_slice %arg4[%add3A, %dma_wait3A_431, %dma_wait3A_436, %dma_wait3A_437] : memref<32x200x128x64xf32, #tpu.memory_space<hbm>> -> memref<1x1x128x64xf32, #tpu.memory_space<hbm>>
    %dma_wait3A_439 = tpu.memref_squeeze %dma_wait3A_438 : memref<1x1x128x64xf32, #tpu.memory_space<hbm>> -> memref<128x64xf32, #tpu.memory_space<hbm>>
    %dma_wait3A_440 = arith.constant 0 : i32
    %dma_wait3A_441 = arith.constant 0 : i32
    %dma_wait3A_442 = tpu.memref_slice %arg4[%add3A, %dma_wait3A_431, %dma_wait3A_440, %dma_wait3A_441] : memref<32x200x128x64xf32, #tpu.memory_space<hbm>> -> memref<1x1x128x64xf32, #tpu.memory_space<hbm>>
    %dma_wait3A_443 = tpu.memref_squeeze %dma_wait3A_442 : memref<1x1x128x64xf32, #tpu.memory_space<hbm>> -> memref<128x64xf32, #tpu.memory_space<hbm>>
    %dma_wait3A_444 = arith.constant 0 : i32
    %dma_wait3A_445 = arith.constant 0 : i32
    %dma_wait3A_446 = tpu.memref_slice %arg6[%dma_wait3A_430, %dma_wait3A_444, %dma_wait3A_445] : memref<8x128x64xf32, #tpu.memory_space<vmem>> -> memref<1x128x64xf32, #tpu.memory_space<vmem>>
    %dma_wait3A_447 = tpu.memref_squeeze %dma_wait3A_446 : memref<1x128x64xf32, #tpu.memory_space<vmem>> -> memref<128x64xf32, #tpu.memory_space<vmem>>
    tpu.wait_dma2 semaphore(%arg20 : memref<!tpu.dma_semaphore, #tpu.memory_space<semaphore_mem>>) src(%dma_wait3A_447 : memref<128x64xf32, #tpu.memory_space<vmem>>) dst(%dma_wait3A_443 : memref<128x64xf32, #tpu.memory_space<hbm>>)
    %dma_wait3A_448 = arith.constant 6 : i32
    %dma_wait3A_449 = arith.constant 198 : i32
    %dma_wait3A_450 = arith.constant 0 : i32
    %dma_wait3A_451 = arith.constant 0 : i32
    %dma_wait3A_452 = tpu.memref_slice %arg6[%dma_wait3A_448, %dma_wait3A_450, %dma_wait3A_451] : memref<8x128x64xf32, #tpu.memory_space<vmem>> -> memref<1x128x64xf32, #tpu.memory_space<vmem>>
    %dma_wait3A_453 = tpu.memref_squeeze %dma_wait3A_452 : memref<1x128x64xf32, #tpu.memory_space<vmem>> -> memref<128x64xf32, #tpu.memory_space<vmem>>
    %dma_wait3A_454 = arith.constant 0 : i32
    %dma_wait3A_455 = arith.constant 0 : i32
    %dma_wait3A_456 = tpu.memref_slice %arg4[%add3A, %dma_wait3A_449, %dma_wait3A_454, %dma_wait3A_455] : memref<32x200x128x64xf32, #tpu.memory_space<hbm>> -> memref<1x1x128x64xf32, #tpu.memory_space<hbm>>
    %dma_wait3A_457 = tpu.memref_squeeze %dma_wait3A_456 : memref<1x1x128x64xf32, #tpu.memory_space<hbm>> -> memref<128x64xf32, #tpu.memory_space<hbm>>
    %dma_wait3A_458 = arith.constant 0 : i32
    %dma_wait3A_459 = arith.constant 0 : i32
    %dma_wait3A_460 = tpu.memref_slice %arg4[%add3A, %dma_wait3A_449, %dma_wait3A_458, %dma_wait3A_459] : memref<32x200x128x64xf32, #tpu.memory_space<hbm>> -> memref<1x1x128x64xf32, #tpu.memory_space<hbm>>
    %dma_wait3A_461 = tpu.memref_squeeze %dma_wait3A_460 : memref<1x1x128x64xf32, #tpu.memory_space<hbm>> -> memref<128x64xf32, #tpu.memory_space<hbm>>
    %dma_wait3A_462 = arith.constant 0 : i32
    %dma_wait3A_463 = arith.constant 0 : i32
    %dma_wait3A_464 = tpu.memref_slice %arg6[%dma_wait3A_448, %dma_wait3A_462, %dma_wait3A_463] : memref<8x128x64xf32, #tpu.memory_space<vmem>> -> memref<1x128x64xf32, #tpu.memory_space<vmem>>
    %dma_wait3A_465 = tpu.memref_squeeze %dma_wait3A_464 : memref<1x128x64xf32, #tpu.memory_space<vmem>> -> memref<128x64xf32, #tpu.memory_space<vmem>>
    tpu.wait_dma2 semaphore(%arg21 : memref<!tpu.dma_semaphore, #tpu.memory_space<semaphore_mem>>) src(%dma_wait3A_465 : memref<128x64xf32, #tpu.memory_space<vmem>>) dst(%dma_wait3A_461 : memref<128x64xf32, #tpu.memory_space<hbm>>)
    %dma_wait3A_466 = arith.constant 7 : i32
    %dma_wait3A_467 = arith.constant 199 : i32
    %dma_wait3A_468 = arith.constant 0 : i32
    %dma_wait3A_469 = arith.constant 0 : i32
    %dma_wait3A_470 = tpu.memref_slice %arg6[%dma_wait3A_466, %dma_wait3A_468, %dma_wait3A_469] : memref<8x128x64xf32, #tpu.memory_space<vmem>> -> memref<1x128x64xf32, #tpu.memory_space<vmem>>
    %dma_wait3A_471 = tpu.memref_squeeze %dma_wait3A_470 : memref<1x128x64xf32, #tpu.memory_space<vmem>> -> memref<128x64xf32, #tpu.memory_space<vmem>>
    %dma_wait3A_472 = arith.constant 0 : i32
    %dma_wait3A_473 = arith.constant 0 : i32
    %dma_wait3A_474 = tpu.memref_slice %arg4[%add3A, %dma_wait3A_467, %dma_wait3A_472, %dma_wait3A_473] : memref<32x200x128x64xf32, #tpu.memory_space<hbm>> -> memref<1x1x128x64xf32, #tpu.memory_space<hbm>>
    %dma_wait3A_475 = tpu.memref_squeeze %dma_wait3A_474 : memref<1x1x128x64xf32, #tpu.memory_space<hbm>> -> memref<128x64xf32, #tpu.memory_space<hbm>>
    %dma_wait3A_476 = arith.constant 0 : i32
    %dma_wait3A_477 = arith.constant 0 : i32
    %dma_wait3A_478 = tpu.memref_slice %arg4[%add3A, %dma_wait3A_467, %dma_wait3A_476, %dma_wait3A_477] : memref<32x200x128x64xf32, #tpu.memory_space<hbm>> -> memref<1x1x128x64xf32, #tpu.memory_space<hbm>>
    %dma_wait3A_479 = tpu.memref_squeeze %dma_wait3A_478 : memref<1x1x128x64xf32, #tpu.memory_space<hbm>> -> memref<128x64xf32, #tpu.memory_space<hbm>>
    %dma_wait3A_480 = arith.constant 0 : i32
    %dma_wait3A_481 = arith.constant 0 : i32
    %dma_wait3A_482 = tpu.memref_slice %arg6[%dma_wait3A_466, %dma_wait3A_480, %dma_wait3A_481] : memref<8x128x64xf32, #tpu.memory_space<vmem>> -> memref<1x128x64xf32, #tpu.memory_space<vmem>>
    %dma_wait3A_483 = tpu.memref_squeeze %dma_wait3A_482 : memref<1x128x64xf32, #tpu.memory_space<vmem>> -> memref<128x64xf32, #tpu.memory_space<vmem>>
    tpu.wait_dma2 semaphore(%arg22 : memref<!tpu.dma_semaphore, #tpu.memory_space<semaphore_mem>>) src(%dma_wait3A_483 : memref<128x64xf32, #tpu.memory_space<vmem>>) dst(%dma_wait3A_479 : memref<128x64xf32, #tpu.memory_space<hbm>>)
    return
  }
}

module attributes {stable_mosaic.version = 14 : i64} {
  func.func @_mask_body(%arg0: memref<4096x200xi32, #tpu.memory_space<vmem>>, %arg1: memref<4096x200xi32, #tpu.memory_space<vmem>>) attributes {dimension_semantics = [], scalar_prefetch = 0 : i64, scratch_operands = 0 : i64, tpu.core_type = #tpu.core_type<tc>} {
    %get3A = arith.constant 0 : index
    %get3A_0 = arith.constant 0 : index
    %get3A_1 = vector.load %arg0[%get3A, %get3A_0] : memref<4096x200xi32, #tpu.memory_space<vmem>>, vector<4096x200xi32>
    %ne3A = arith.constant 0 : i32
    %ne3A_2 = vector.broadcast %ne3A : i32 to vector<4096x200xi32>
    %ne3A_3 = arith.cmpi ne, %get3A_1, %ne3A_2 : vector<4096x200xi32>
    %swap3A = arith.constant 0 : index
    %swap3A_4 = arith.constant 0 : index
    %swap3A_5 = vector.load %arg1[%swap3A, %swap3A_4] : memref<4096x200xi32, #tpu.memory_space<vmem>>, vector<4096x200xi32>
    %swap3A_6 = arith.extui %ne3A_3 : vector<4096x200xi1> to vector<4096x200xi32>
    %swap3A_7 = arith.constant dense<0> : vector<4096x200xi32>
    %swap3A_8 = arith.cmpi ne, %swap3A_5, %swap3A_7 : vector<4096x200xi32>
    tpu.vector_store %arg1[%swap3A, %swap3A_4], %swap3A_6 {strides = array<i32>} : memref<4096x200xi32, #tpu.memory_space<vmem>>, vector<4096x200xi32>,
    return
  }
}

</mosaic_0001>

<sc_bundles>
// kernel: kernel.4.cloned.1.call-start
scs
__scs_entry_jumppad:
0x0: {  	(pc) =	sbr.rel $0x88, $3  }
0x1: {  	(tag) =	ssettag $0x0;
	lr =	simm.s32 $0x1  }
0x2: {  	[smem:$0x3F9F] =	sst lr;
	_ =	strace $0xD0000000  }
0x3: {  	_ = 	snop  }
0x4: {  	_ = 	snop  }
0x5: {  	_ = 	snop  }
0x6: {  	_ = 	snop  }
0x7: {  	_ = 	snop  }
__scs_overlays_trampoline_lowered:
0x8: {  	[smem:$0x3FAE] =	sst s0  }
0x9: {  	[smem:$0x3FAF] =	sst s1  }
0xa: {  	[smem:$0x3FB0] =	sst s2  }
0xb: {  	[smem:$0x3FB1] =	sst s3  }
0xc: {  	[smem:$0x3FB2] =	sst s4  }
0xd: {  	[smem:$0x3FB3] =	sst s5  }
0xe: {  	[smem:$0x3FB4] =	sst s6  }
0xf: {  	[smem:$0x3FB5] =	sst s7  }
0x10: {  	[smem:$0x3FB6] =	sst s8  }
0x11: {  	[smem:$0x3FB7] =	sst s9;
	s0 =	simm.s32 @!p0 $0x0  }
0x12: {  	s1 =	sld [smem:$0x3F9D];
	s0 =	simm.s32 @p0 $0x1  }
0x13: {  	[smem:$0x3FB8] =	sst s0;
	s0 =	simm.s32 @!p1 $0x0  }
0x14: {  	s2 =	sld [smem:$0x3F9C];
	s0 =	simm.s32 @p1 $0x1  }
0x15: {  	[smem:$0x3FB9] =	sst s0;
	s0 =	simm.s32 @!p2 $0x0  }
0x16: {  	s3 =	sld [smem:$0x3FDB];
	s0 =	simm.s32 @p2 $0x1  }
0x17: {  	s4 =	simm.s32 $0x1BF5;
	[smem:$0x3FBB] =	sst s0  }
0x18: {  	s0 =	sld [smem:$0x3F9E];
	_ =	swait.ge [sflag:s4], $0x0  }
0x19: {  	s7 =	sld [smem:$0x3F9F]  }
0x1a: {  	s8 =	sadd.s32 $0xFFFFE003, lr  }
0x1b: {  	s9 =	sadd.s32 $0xFFFFFEF7, lr;
	s5 =	simm.s32 $0xFFFFFFFF;
	p2 =	slt.u32 s8, $0xFFFFF086  }
0x1c: {  	p1 =	slt.u32 s9, $0xF7A;
	s5 =	simm.s32 @!p2 $0x0  }
0x1d: {  	s5 =	simm.s32 @p1 $0x1;
	p0 =	seq.s32 s7, s2  }
0x1e: {  	s7 =	smul.u32 @!p0 $0xF7A, s2;
	p2 =	seq.s32 @!p0 s5, $0x0  }
0x1f: {  	s9 =	smul.u32 $0xF7A, s1;
	s8 =	simm.s32 @!p0 $0x1BF5;
	p2 =	por !p2, p0  }
0x20: {  	[sflag:s8] =	ssyncset.s32 @!p0 $0xFFFFF086;
	s6 =	sadd.s32 @!p0 s3, s7;
	s7 =	simm.s32 @!p0 $0x108  }
0x21: {  	s3 =	sadd.s32 s3, s9;
	s6 =	sadd.s32 @!p0 $0x88, s6;
	s7 =	simm.s32 @p2 $0x1082  }
0x22: {  	[simem:s7], [sflag:s8] =	dma.local @!p0 [hbm:s6], $0xF7A  }
0x23: {  	s9 =	sor.u32 $0xD0000000, s2;
	s6 =	simm.s32 $0x108;
	_ =	swait.ge @!p0 [sflag:s8], $0x0  }
0x24: {  	s3 =	sadd.s32 $0x88, s3;
	s6 =	simm.s32 @!p1 $0x1082;
	[sflag:s4] =	ssyncset.s32 $0xFFFFF086  }
0x25: {  	[simem:s6], [sflag:s4] =	dma.local [hbm:s3], $0xF7A  }
0x26: {  	[smem:$0x3F9F] =	sst s1;
	(tag) =	ssettag s2;
	_ =	strace s9  }
0x27: {  	s1 =	sld [smem:$0x3FAF]  }
0x28: {  	s2 =	sld [smem:$0x3FB0]  }
0x29: {  	s4 =	sld [smem:$0x3FB2]  }
0x2a: {  	p0 =	seq.s32 s5, $0x0;
	s5 =	sld [smem:$0x3FB3]  }
0x2b: {  	s6 =	sld [smem:$0x3FB4]  }
0x2c: {  	s7 =	sld [smem:$0x3FB5]  }
0x2d: {  	s3 =	simm.s32 $0x108;
	s8 =	sld [smem:$0x3FB6]  }
0x2e: {  	s3 =	simm.s32 @!p0 $0x1082;
	s9 =	sld [smem:$0x3FB7]  }
0x2f: {  	lr =	sadd.s32 s0, s3;
	s0 =	sld [smem:$0x3FAE]  }
0x30: {  	s3 =	sld [smem:$0x3FB1]  }
0x31: {  	[smem:$0x3FBA] =	sst s10  }
0x32: {  	s10 =	sld [smem:$0x3FB8];
	_ =	sdelay $0x3  }
0x33: {  	p0 =	seq.s32 s10, $0x1;
	s10 =	sld [smem:$0x3FBA];
	_ =	sdelay $0x3  }
0x34: {  	[smem:$0x3FBA] =	sst s10  }
0x35: {  	s10 =	sld [smem:$0x3FB9];
	_ =	sdelay $0x3  }
0x36: {  	p1 =	seq.s32 s10, $0x1;
	s10 =	sld [smem:$0x3FBA];
	_ =	sdelay $0x3  }
0x37: {  	[smem:$0x3FBA] =	sst s10  }
0x38: {  	s10 =	sld [smem:$0x3FBB]  }
0x39: {  	_ = 	snop;
	(pc) =	sbr.ind lr, $3  }
0x3a: {  	_ = 	snop  }
0x3b: {  	_ = 	snop  }
0x3c: {  	p2 =	seq.s32 s10, $0x1;
	s10 =	sld [smem:$0x3FBA]  }
0x3d: {  	_ =	shalt  }
0x3e: {  	_ =	shalt  }
0x3f: {  	_ =	shalt  }
0x40: {  	_ =	shalt  }
0x41: {  	_ =	shalt  }
0x42: {  	_ =	shalt  }
0x43: {  	_ =	shalt  }
0x44: {  	_ =	shalt  }
0x45: {  	_ =	shalt  }
0x46: {  	_ =	shalt  }
0x47: {  	_ =	shalt  }
0x48: {  	_ =	shalt  }
0x49: {  	_ =	shalt  }
0x4a: {  	_ =	shalt  }
0x4b: {  	_ =	shalt  }
0x4c: {  	_ =	shalt  }
0x4d: {  	_ =	shalt  }
0x4e: {  	_ =	shalt  }
0x4f: {  	_ =	shalt  }
0x50: {  	_ =	shalt  }
0x51: {  	_ =	shalt  }
0x52: {  	_ =	shalt  }
0x53: {  	_ =	shalt  }
0x54: {  	_ =	shalt  }
0x55: {  	_ =	shalt  }
0x56: {  	_ =	shalt  }
0x57: {  	_ =	shalt  }
0x58: {  	_ =	shalt  }
0x59: {  	_ =	shalt  }
0x5a: {  	_ =	shalt  }
0x5b: {  	_ =	shalt  }
0x5c: {  	_ =	shalt  }
0x5d: {  	_ =	shalt  }
0x5e: {  	_ =	shalt  }
0x5f: {  	_ =	shalt  }
0x60: {  	_ =	shalt  }
0x61: {  	_ =	shalt  }
0x62: {  	_ =	shalt  }
0x63: {  	_ =	shalt  }
0x64: {  	_ =	shalt  }
0x65: {  	_ =	shalt  }
0x66: {  	_ =	shalt  }
0x67: {  	_ =	shalt  }
0x68: {  	_ =	shalt  }
0x69: {  	_ =	shalt  }
0x6a: {  	_ =	shalt  }
0x6b: {  	_ =	shalt  }
0x6c: {  	_ =	shalt  }
0x6d: {  	_ =	shalt  }
0x6e: {  	_ =	shalt  }
0x6f: {  	_ =	shalt  }
0x70: {  	_ =	shalt  }
0x71: {  	_ =	shalt  }
0x72: {  	_ =	shalt  }
0x73: {  	_ =	shalt  }
0x74: {  	_ =	shalt  }
0x75: {  	_ =	shalt  }
0x76: {  	_ =	shalt  }
0x77: {  	_ =	shalt  }
0x78: {  	_ =	shalt  }
0x79: {  	_ =	shalt  }
0x7a: {  	_ =	shalt  }
0x7b: {  	_ =	shalt  }
0x7c: {  	_ =	shalt  }
0x7d: {  	_ =	shalt  }
0x7e: {  	_ =	shalt  }
0x7f: {  	_ =	shalt  }
0x80: {  	_ =	shalt  }
0x81: {  	_ =	shalt  }
0x82: {  	_ =	shalt  }
0x83: {  	_ =	shalt  }
0x84: {  	_ =	shalt  }
0x85: {  	_ =	shalt  }
0x86: {  	_ =	shalt  }
0x87: {  	_ =	shalt  }
.Lfunc_end0:
.L_simem_size_0:
called_computation.1_lowered:
.L_overlay_start_0:
0x88: {  	s2 =	sld [smem:$0x3FD9]  }
0x89: {  	s3 =	sld [smem:$0x3FFE];
	_ =	sdelay $0x1  }
0x8a: {  	s1 =	srdreg.scid  }
0x8b: {  	s0 =	sand.u32 $0x1, s1  }
0x8c: {  	s14 =	sshll.u32 s0, $0xA;
	s2 =	sadd.s32 s3, s2  }
0x8d: {  	s2 =	sadd.s32 s2, s14  }
0x8e: {  	[smem:$0x3FC6] =	sst s2  }
0x8f: {  	_ = 	snop  }
0x90: {  	s2 =	sld [smem:$0x3FD0];
	_ =	sdelay $0x2  }
0x91: {  	s15 =	simm.s32 $0xA;
	s4 =	simm.s32 $0x10  }
0x92: {  	[smem:s4], [sflag:s15] =	dma.local [hbm:s2], $0x1  }
0x93: {  	_ =	swait.eq [sflag:s15], $0x1  }
0x94: {  	[sflag:s15] =	ssyncset.done $0x0  }
0x95: {  	[sflag:s15] =	ssyncadd.s32 $0xFFFFFFFF  }
0x96: {  	s16 =	sld [smem:$0x10];
	(tm) =	ssettm $0x1  }
0x97: {  	s17 =	sld [smem:$0x3FFB];
	_ =	sdelay $0x3  }
0x98: {  	_ =	strace s17  }
0x99: {  	s3 =	sld [smem:$0x3FFC];
	_ =	sdelay $0x3  }
0x9a: {  	_ =	strace s3  }
0x9b: {  	s3 =	sld [smem:$0x3FFD];
	_ =	sdelay $0x3  }
0x9c: {  	_ =	strace s3  }
0x9d: {  	_ =	strace $0x8FFFFFFF  }
0x9e: {  	s18 =	sld [smem:$0x3FDB];
	_ =	sdelay $0x1  }
0x9f: {  	s19 =	simm.s32 $_scs_section_size  }
0xa0: {  	s5 =	simm.s32 $_size__tile_overlayer_lowered;
	s6 =	simm.s32 $_tile_overlayer_lowered  }
0xa1: {  	s22 =	simm.s32 $0x1BFF;
	s21 =	sshll.u32 s6, $0x1;
	s3 =	sadd.s32 s19, s18  }
0xa2: {  	s7 =	simm.s32 $0x0;
	s20 =	sshll.u32 s5, $0x1;
	s5 =	sadd.s32 s21, s3  }
0xa3: {  	[timem:s7], [sflag:s22] =	dma.local [hbm:s5], s20  }
0xa4: {  	_ =	swait.ge [sflag:s22], s20  }
0xa5: {  	s4 =	ssub.s32 $0x0, s20;
	[sflag:s22] =	ssyncset.done $0x0  }
0xa6: {  	[sflag:s22] =	ssyncadd.s32 s4;
	_ =	sdelay $0x1  }
0xa7: {  	s23 =	simm.s32 $0x1B8B  }
0xa8: {  	_ =	swait.ge [sflag:s23], $0x1  }
0xa9: {  	[sflag:s23] =	ssyncset.done $0x0  }
0xaa: {  	s25 =	simm.s32 $0x1B8E;
	s24 =	sld [smem:$0x3FFE];
	[sflag:s23] =	ssyncadd.s32 $0xFFFFFFFF  }
0xab: {  	s26 =	simm.s32 $execute0_lowered;
	[smem:$0x3FD2] =	sst s25  }
0xac: {  	s5 =	sshll.u32 s26, $0x1;
	_ =	strace $0x80000046;
	[dreg:$0x1] =	wrdreg $0xFFFFFFFF  }
0xad: {  	s28 =	simm.s32 $_size_execute0_lowered;
	s3 =	sadd.s32 s3, s5;
	[dreg:$0x0] =	wrdreg $0x0  }
0xae: {  	s5 =	sshll.u32 s28, $0x1;
	[dreg:$0x2] =	wrdreg s3  }
0xaf: {  	[dreg:$0x3] =	wrdreg s5  }
0xb0: {  	[dreg:$0x4] =	wrdreg $0xC0  }
0xb1: {  	_ =	task [dreg:s7], $0x5FFFF  }
0xb2: {  	[dreg:$0x1] =	wrdreg $0xFFFFFFFF  }
0xb3: {  	[dreg:$0x0] =	wrdreg $0x60  }
0xb4: {  	[dreg:$0x2] =	wrdreg s24  }
0xb5: {  	[dreg:$0x3] =	wrdreg s16  }
0xb6: {  	[dreg:$0x4] =	wrdreg $0x9  }
0xb7: {  	_ =	task.clear_ibuf [dreg:s7], $0x5FFFF;
	_ =	strace $0x90000046  }
0xb8: {  	s29 =	simm.s32 $0x9;
	_ =	strace $0x80000048  }
0xb9: {  	_ =	swait.ge [sflag:s29], $0x1  }
0xba: {  	[sflag:s29] =	ssyncadd.s32 $0xFFFFFFFF  }
0xbb: {  	_ =	strace $0x90000048  }
0xbc: {  	_ =	sfence  }
0xbd: {  	s30 =	sld [smem:$0x0];
	_ =	sdelay $0x2  }
0xbe: {  	s31 =	sshll.u32 s1, $0xD;
	s1 =	sshrl.u32 s1, $0x2  }
0xbf: {  	s3 =	sand.u32 $0x4000, s31;
	s1 =	sadd.s32 s1, s30  }
0xc0: {  	s0 =	sor.u32 s3, s0;
	s1 =	sshll.u32 s1, $0x11  }
0xc1: {  	s0 =	sor.u32 s1, s0  }
0xc2: {  	s0 =	sadd.s32 $0x8F2B, s0  }
0xc3: {  	[sflag:s0] =	ssyncadd.remote.s32 $0x1  }
0xc4: {  	_ =	sfence.sel $0xFFFF  }
0xc5: {  	[dreg:$0x0] =	wrdreg $0xFFFFFFFF;
	(pc) =	sbr.abs _section_cstart, $3  }
0xc6: {  	[dreg:$0x1] =	wrdreg $0xFFFFFFFF  }
0xc7: {  	_ =	task.clear_ibuf [dreg:s7], $0x2FFFF;
	_ =	strace $0x9FFFFFFF  }
0xc8: {  	(tm) =	ssettm $0x7FFFFFFF  }
0xc9: {  	_ =	shalt  }
tec
execute0_lowered:
.L_overlay_start_1:
0x0: {  	(tag) =	ssettag $0x1  }
0x1: {  	s0 =	srdreg.scid;
	s1 =	rddreg [dreg:$0x0]  }
0x2: {  	s6 =	stileid.u32;
	s8 =	rddreg [dreg:$0x1]  }
0x3: {  	s3 =	simm.s32 $0x0;
	s29 =	simm.s32 $0x12400;
	s31 =	simm.s32 $0x14400  }
0x4: {  	s0 =	sand.u32 $0x1, s0;
	s2 =	sshll.u32 s6, $0x1;
	s6 =	smul.u32 $0x320000, s6  }
0x5: {  	s2 =	sor.u32 s0, s2;
	s26 =	ssub.s32 $0x2, s0;
	s0 =	smul.u32 $0x190000, s0  }
0x6: {  	s28 =	simm.s32 $0x7;
	[smem:$0x7FF] =	sst s3;
	s4 =	smul.u32 $0xC80, s2  }
0x7: {  	s30 =	simm.s32 $0x8;
	_ =	strace $0x80000047;
	s2 =	smul.u32 $0x190000, s2  }
0x8: {  	s7 =	sshrl.u32 s26, $0x1;
	s0 =	sadd.s32 s0, s6;
	s6 =	simm.s32 $0xA  }
0x9: {  	s5 =	sadd.s32 s4, s1;
	s11 =	sor.u32 $0xE000, s0;
	s13 =	sor.u32 $0xC000, s0  }
0xa: {  	s15 =	sor.u32 $0xA000, s0;
	s17 =	sor.u32 $0x8000, s0;
	s19 =	sor.u32 $0x6000, s0  }
0xb: {  	s21 =	sor.u32 $0x4000, s0;
	s23 =	sor.u32 $0x2000, s0;
	s0 =	sshrl.u32 s0, $0x3  }
0xc: {  	s4 =	sadd.s32 $0xF7C000, s1;
	s5 =	sadd.s32 $0x20C00, s5;
	[dreg:$0xa] =	wrdreg s0  }
0xd: {  	s2 =	sshrl.u32 s2, $0x3;
	s14 =	sshrl.u32 s13, $0x3;
	[dreg:$0xb] =	wrdreg s5  }
0xe: {  	s1 =	ssub.s32 s26, s7;
	s16 =	sshrl.u32 s15, $0x3;
	[dreg:$0x4] =	wrdreg s14  }
0xf: {  	s2 =	sadd.s32 s8, s2;
	s18 =	sshrl.u32 s17, $0x3;
	[dreg:$0x5] =	wrdreg s16  }
0x10: {  	s20 =	sshrl.u32 s19, $0x3;
	s22 =	sshrl.u32 s21, $0x3;
	[dreg:$0x6] =	wrdreg s18  }
0x11: {  	s25 =	sshrl.u32 s23, $0x3;
	s1 =	smax.u32 s1, $0x1;
	[dreg:$0x7] =	wrdreg s20  }
0x12: {  	s17 =	simm.s32 $0x6400;
	s0 =	simm.s32 $0x2;
	[dreg:$0x8] =	wrdreg s22  }
0x13: {  	s19 =	simm.s32 $0x3;
	s21 =	simm.s32 $0x4;
	[dreg:$0x9] =	wrdreg s25  }
0x14: {  	s23 =	simm.s32 $0x5;
	s7 =	sadd.s32 $0x30000, s2;
	[dreg:$0x14] =	wrdreg s1  }
0x15: {  	s13 =	simm.s32 $0x0;
	s8 =	sadd.s32 $0x30400, s2;
	[dreg:$0xc] =	wrdreg s7  }
0x16: {  	s9 =	sadd.s32 $0x30800, s2;
	s10 =	sadd.s32 $0x30C00, s2;
	[dreg:$0xd] =	wrdreg s8  }
0x17: {  	s12 =	sadd.s32 $0x31000, s2;
	s5 =	sshrl.u32 s11, $0x3;
	[dreg:$0xe] =	wrdreg s9  }
0x18: {  	s24 =	sadd.s32 $0x31400, s2;
	s26 =	sadd.s32 $0x31800, s2;
	[dreg:$0xf] =	wrdreg s10  }
0x19: {  	s2 =	sadd.s32 $0x31C00, s2;
	s16 =	simm.s32 $0x80;
	[dreg:$0x10] =	wrdreg s12  }
0x1a: {  	s18 =	simm.s32 $0x8400;
	s20 =	simm.s32 $0xA400;
	[dreg:$0x3] =	wrdreg s5  }
0x1b: {  	s22 =	simm.s32 $0xC400;
	s1 =	simm.s32 $0x1;
	[dreg:$0x11] =	wrdreg s24  }
0x1c: {  	s25 =	simm.s32 $0x6;
	s11 =	simm.s32 $0xF;
	[dreg:$0x12] =	wrdreg s26  }
0x1d: {  	[dreg:$0x13] =	wrdreg s2;
	s24 =	simm.s32 $0xE400;
	s26 =	simm.s32 $0x10400  }
0x1e: {  	s5 =	simm.s32 $0x9;
	s7 =	simm.s32 $0xB;
	s8 =	simm.s32 $0xC  }
0x1f: {  	s9 =	simm.s32 $0xD;
	s10 =	simm.s32 $0xE;
	s12 =	simm.s32 $0x10  }
.LBB2_1:
0x20: {  	[dreg:$0x15] =	wrdreg s13  }
0x21: {  	s2 =	rddreg [dreg:$0xb];
	s14 =	simm.s32 $0x11  }
0x22: {  	[tilespmem:s3], [sflag:$0x11] =	stream.linear.gather [hbm4b:s2+s3], $0x6400, $0x38;
	[tilespmem:$0x16400] =	vst v63  }
0x23: {  	_ =	swait.ge [sflag:s14], $0x6400  }
0x24: {  	[sflag:s14] =	ssyncset.done $0x0  }
0x25: {  	[sflag:s14] =	ssyncadd.s32 $0xFFFF9C00  }
0x26: {  	[tilespmem:s17], [sflag:$0x1] =	stream.indirect.gather [hbm4b:s4+s16], $0x40, s3, s16, $0xb8;
	[tilespmem:$0x16400] =	vst v63  }
0x27: {  	_ = 	snop  }
0x28: {  	[tilespmem:s18], [sflag:$0x2] =	stream.indirect.gather [hbm4b:s4+s16], $0x40, s16, s16, $0xb8;
	[tilespmem:$0x16400] =	vst v63  }
0x29: {  	s15 =	simm.s32 $0x100  }
0x2a: {  	[tilespmem:s20], [sflag:$0x3] =	stream.indirect.gather [hbm4b:s4+s16], $0x40, s15, s16, $0xb8;
	[tilespmem:$0x16400] =	vst v63  }
0x2b: {  	s13 =	simm.s32 $0x180  }
0x2c: {  	[tilespmem:s22], [sflag:$0x4] =	stream.indirect.gather [hbm4b:s4+s16], $0x40, s13, s16, $0xb8;
	[tilespmem:$0x16400] =	vst v63  }
0x2d: {  	s14 =	simm.s32 $0x200  }
0x2e: {  	[tilespmem:s24], [sflag:$0x5] =	stream.indirect.gather [hbm4b:s4+s16], $0x40, s14, s16, $0xb8;
	[tilespmem:$0x16400] =	vst v63  }
0x2f: {  	s15 =	simm.s32 $0x280  }
0x30: {  	[tilespmem:s26], [sflag:$0x6] =	stream.indirect.gather [hbm4b:s4+s16], $0x40, s15, s16, $0xb8;
	[tilespmem:$0x16400] =	vst v63  }
0x31: {  	s13 =	simm.s32 $0x300  }
0x32: {  	[tilespmem:s29], [sflag:$0x7] =	stream.indirect.gather [hbm4b:s4+s16], $0x40, s13, s16, $0xb8;
	[tilespmem:$0x16400] =	vst v63  }
0x33: {  	s14 =	simm.s32 $0x380  }
0x34: {  	[tilespmem:s31], [sflag:$0x8] =	stream.indirect.gather [hbm4b:s4+s16], $0x40, s14, s16, $0xb8;
	[tilespmem:$0x16400] =	vst v63  }
0x35: {  	_ =	swait.ge [sflag:s1], $0x2000  }
0x36: {  	[sflag:s1] =	ssyncset.done $0x0  }
0x37: {  	s15 =	rddreg [dreg:$0xa];
	[sflag:s1] =	ssyncadd.s32 $0xFFFFE000  }
0x38: {  	s13 =	rddreg [dreg:$0x1]  }
0x39: {  	s2 =	sadd.s32 s13, s15  }
0x3a: {  	[hbm4b:s2+s3] =	stream.linear.scatter [tilespmem:s17], [sflag:$0x9], $0x2000, $0x38;
	[tilespmem:$0x16400] =	vst v63  }
0x3b: {  	_ =	swait.ge [sflag:s0], $0x2000  }
0x3c: {  	s14 =	rddreg [dreg:$0x9];
	[sflag:s0] =	ssyncset.done $0x0  }
0x3d: {  	[sflag:s0] =	ssyncadd.s32 $0xFFFFE000;
	s2 =	sadd.s32 s13, s14  }
0x3e: {  	[hbm4b:s2+s3] =	stream.linear.scatter [tilespmem:s18], [sflag:$0xA], $0x2000, $0x38;
	[tilespmem:$0x16400] =	vst v63  }
0x3f: {  	_ =	swait.ge [sflag:s19], $0x2000  }
0x40: {  	s15 =	rddreg [dreg:$0x8];
	[sflag:s19] =	ssyncset.done $0x0  }
0x41: {  	[sflag:s19] =	ssyncadd.s32 $0xFFFFE000;
	s2 =	sadd.s32 s13, s15  }
0x42: {  	[hbm4b:s2+s3] =	stream.linear.scatter [tilespmem:s20], [sflag:$0xB], $0x2000, $0x38;
	[tilespmem:$0x16400] =	vst v63  }
0x43: {  	_ =	swait.ge [sflag:s21], $0x2000  }
0x44: {  	s14 =	rddreg [dreg:$0x7];
	[sflag:s21] =	ssyncset.done $0x0  }
0x45: {  	[sflag:s21] =	ssyncadd.s32 $0xFFFFE000;
	s2 =	sadd.s32 s13, s14  }
0x46: {  	[hbm4b:s2+s3] =	stream.linear.scatter [tilespmem:s22], [sflag:$0xC], $0x2000, $0x38;
	[tilespmem:$0x16400] =	vst v63  }
0x47: {  	_ =	swait.ge [sflag:s23], $0x2000  }
0x48: {  	s15 =	rddreg [dreg:$0x6];
	[sflag:s23] =	ssyncset.done $0x0  }
0x49: {  	[sflag:s23] =	ssyncadd.s32 $0xFFFFE000;
	s2 =	sadd.s32 s13, s15  }
0x4a: {  	[hbm4b:s2+s3] =	stream.linear.scatter [tilespmem:s24], [sflag:$0xD], $0x2000, $0x38;
	[tilespmem:$0x16400] =	vst v63  }
0x4b: {  	_ =	swait.ge [sflag:s25], $0x2000  }
0x4c: {  	s14 =	rddreg [dreg:$0x5];
	[sflag:s25] =	ssyncset.done $0x0  }
0x4d: {  	[sflag:s25] =	ssyncadd.s32 $0xFFFFE000;
	s2 =	sadd.s32 s13, s14  }
0x4e: {  	[hbm4b:s2+s3] =	stream.linear.scatter [tilespmem:s26], [sflag:$0xE], $0x2000, $0x38;
	[tilespmem:$0x16400] =	vst v63  }
0x4f: {  	_ =	swait.ge [sflag:s28], $0x2000  }
0x50: {  	s15 =	rddreg [dreg:$0x4];
	[sflag:s28] =	ssyncset.done $0x0  }
0x51: {  	[sflag:s28] =	ssyncadd.s32 $0xFFFFE000;
	s2 =	sadd.s32 s13, s15  }
0x52: {  	[hbm4b:s2+s3] =	stream.linear.scatter [tilespmem:s29], [sflag:$0xF], $0x2000, $0x38;
	[tilespmem:$0x16400] =	vst v63  }
0x53: {  	_ =	swait.ge [sflag:s30], $0x2000  }
0x54: {  	s14 =	rddreg [dreg:$0x3];
	[sflag:s30] =	ssyncset.done $0x0  }
0x55: {  	[sflag:s30] =	ssyncadd.s32 $0xFFFFE000;
	s2 =	sadd.s32 s13, s14  }
0x56: {  	[hbm4b:s2+s3] =	stream.linear.scatter [tilespmem:s31], [sflag:$0x10], $0x2000, $0x38;
	[tilespmem:$0x16400] =	vst v63  }
0x57: {  	_ =	swait.ge [sflag:s5], $0x2000  }
0x58: {  	[sflag:s5] =	ssyncset.done $0x0  }
0x59: {  	s15 =	simm.s32 $0x400;
	[sflag:s5] =	ssyncadd.s32 $0xFFFFE000  }
0x5a: {  	[tilespmem:s17], [sflag:$0x1] =	stream.indirect.gather [hbm4b:s4+s16], $0x40, s15, s16, $0xb8;
	[tilespmem:$0x16400] =	vst v63  }
0x5b: {  	_ =	swait.ge [sflag:s6], $0x2000  }
0x5c: {  	[sflag:s6] =	ssyncset.done $0x0  }
0x5d: {  	s14 =	simm.s32 $0x480;
	[sflag:s6] =	ssyncadd.s32 $0xFFFFE000  }
0x5e: {  	[tilespmem:s18], [sflag:$0x2] =	stream.indirect.gather [hbm4b:s4+s16], $0x40, s14, s16, $0xb8;
	[tilespmem:$0x16400] =	vst v63  }
0x5f: {  	_ =	swait.ge [sflag:s7], $0x2000  }
0x60: {  	[sflag:s7] =	ssyncset.done $0x0  }
0x61: {  	s15 =	simm.s32 $0x500;
	[sflag:s7] =	ssyncadd.s32 $0xFFFFE000  }
0x62: {  	[tilespmem:s20], [sflag:$0x3] =	stream.indirect.gather [hbm4b:s4+s16], $0x40, s15, s16, $0xb8;
	[tilespmem:$0x16400] =	vst v63  }
0x63: {  	_ =	swait.ge [sflag:s8], $0x2000  }
0x64: {  	[sflag:s8] =	ssyncset.done $0x0  }
0x65: {  	s14 =	simm.s32 $0x580;
	[sflag:s8] =	ssyncadd.s32 $0xFFFFE000  }
0x66: {  	[tilespmem:s22], [sflag:$0x4] =	stream.indirect.gather [hbm4b:s4+s16], $0x40, s14, s16, $0xb8;
	[tilespmem:$0x16400] =	vst v63  }
0x67: {  	_ =	swait.ge [sflag:s9], $0x2000  }
0x68: {  	[sflag:s9] =	ssyncset.done $0x0  }
0x69: {  	s15 =	simm.s32 $0x600;
	[sflag:s9] =	ssyncadd.s32 $0xFFFFE000  }
0x6a: {  	[tilespmem:s24], [sflag:$0x5] =	stream.indirect.gather [hbm4b:s4+s16], $0x40, s15, s16, $0xb8;
	[tilespmem:$0x16400] =	vst v63  }
0x6b: {  	_ =	swait.ge [sflag:s10], $0x2000  }
0x6c: {  	[sflag:s10] =	ssyncset.done $0x0  }
0x6d: {  	s14 =	simm.s32 $0x680;
	[sflag:s10] =	ssyncadd.s32 $0xFFFFE000  }
0x6e: {  	[tilespmem:s26], [sflag:$0x6] =	stream.indirect.gather [hbm4b:s4+s16], $0x40, s14, s16, $0xb8;
	[tilespmem:$0x16400] =	vst v63  }
0x6f: {  	_ =	swait.ge [sflag:s11], $0x2000  }
0x70: {  	[sflag:s11] =	ssyncset.done $0x0  }
0x71: {  	s15 =	simm.s32 $0x700;
	[sflag:s11] =	ssyncadd.s32 $0xFFFFE000  }
0x72: {  	[tilespmem:s29], [sflag:$0x7] =	stream.indirect.gather [hbm4b:s4+s16], $0x40, s15, s16, $0xb8;
	[tilespmem:$0x16400] =	vst v63  }
0x73: {  	_ =	swait.ge [sflag:s12], $0x2000  }
0x74: {  	s2 =	simm.s32 $0x780;
	[sflag:s12] =	ssyncset.done $0x0  }
0x75: {  	s14 =	simm.s32 $0x1000;
	s15 =	sadd.s32 $0x2000, s13;
	[sflag:s12] =	ssyncadd.s32 $0xFFFFE000  }
.LBB2_2:
0x76: {  	[tilespmem:s31], [sflag:$0x8] =	stream.indirect.gather [hbm4b:s4+s16], $0x40, s2, s16, $0xb8;
	[tilespmem:$0x16400] =	vst v63  }
0x77: {  	_ =	swait.ge [sflag:s1], $0x2000  }
0x78: {  	s13 =	rddreg [dreg:$0xa];
	[sflag:s1] =	ssyncset.done $0x0  }
0x79: {  	[sflag:s1] =	ssyncadd.s32 $0xFFFFE000;
	s13 =	sadd.s32 s15, s13  }
0x7a: {  	[hbm4b:s13+s3] =	stream.linear.scatter [tilespmem:s17], [sflag:$0x9], $0x2000, $0x38;
	[tilespmem:$0x16400] =	vst v63  }
0x7b: {  	_ =	swait.ge [sflag:s0], $0x2000  }
0x7c: {  	s13 =	rddreg [dreg:$0x9];
	[sflag:s0] =	ssyncset.done $0x0  }
0x7d: {  	[sflag:s0] =	ssyncadd.s32 $0xFFFFE000;
	s13 =	sadd.s32 s15, s13  }
0x7e: {  	[hbm4b:s13+s3] =	stream.linear.scatter [tilespmem:s18], [sflag:$0xA], $0x2000, $0x38;
	[tilespmem:$0x16400] =	vst v63  }
0x7f: {  	_ =	swait.ge [sflag:s19], $0x2000  }
0x80: {  	s13 =	rddreg [dreg:$0x8];
	[sflag:s19] =	ssyncset.done $0x0  }
0x81: {  	[sflag:s19] =	ssyncadd.s32 $0xFFFFE000;
	s13 =	sadd.s32 s15, s13  }
0x82: {  	[hbm4b:s13+s3] =	stream.linear.scatter [tilespmem:s20], [sflag:$0xB], $0x2000, $0x38;
	[tilespmem:$0x16400] =	vst v63  }
0x83: {  	_ =	swait.ge [sflag:s21], $0x2000  }
0x84: {  	s13 =	rddreg [dreg:$0x7];
	[sflag:s21] =	ssyncset.done $0x0  }
0x85: {  	[sflag:s21] =	ssyncadd.s32 $0xFFFFE000;
	s13 =	sadd.s32 s15, s13  }
0x86: {  	[hbm4b:s13+s3] =	stream.linear.scatter [tilespmem:s22], [sflag:$0xC], $0x2000, $0x38;
	[tilespmem:$0x16400] =	vst v63  }
0x87: {  	_ =	swait.ge [sflag:s23], $0x2000  }
0x88: {  	s13 =	rddreg [dreg:$0x6];
	[sflag:s23] =	ssyncset.done $0x0  }
0x89: {  	[sflag:s23] =	ssyncadd.s32 $0xFFFFE000;
	s13 =	sadd.s32 s15, s13  }
0x8a: {  	[hbm4b:s13+s3] =	stream.linear.scatter [tilespmem:s24], [sflag:$0xD], $0x2000, $0x38;
	[tilespmem:$0x16400] =	vst v63  }
0x8b: {  	_ =	swait.ge [sflag:s25], $0x2000  }
0x8c: {  	s13 =	rddreg [dreg:$0x5];
	[sflag:s25] =	ssyncset.done $0x0  }
0x8d: {  	[sflag:s25] =	ssyncadd.s32 $0xFFFFE000;
	s13 =	sadd.s32 s15, s13  }
0x8e: {  	[hbm4b:s13+s3] =	stream.linear.scatter [tilespmem:s26], [sflag:$0xE], $0x2000, $0x38;
	[tilespmem:$0x16400] =	vst v63  }
0x8f: {  	_ =	swait.ge [sflag:s28], $0x2000  }
0x90: {  	s13 =	rddreg [dreg:$0x4];
	[sflag:s28] =	ssyncset.done $0x0  }
0x91: {  	[sflag:s28] =	ssyncadd.s32 $0xFFFFE000;
	s13 =	sadd.s32 s15, s13  }
0x92: {  	[hbm4b:s13+s3] =	stream.linear.scatter [tilespmem:s29], [sflag:$0xF], $0x2000, $0x38;
	[tilespmem:$0x16400] =	vst v63  }
0x93: {  	_ =	swait.ge [sflag:s30], $0x2000  }
0x94: {  	s13 =	rddreg [dreg:$0x3];
	[sflag:s30] =	ssyncset.done $0x0  }
0x95: {  	[sflag:s30] =	ssyncadd.s32 $0xFFFFE000;
	s13 =	sadd.s32 s15, s13  }
0x96: {  	[hbm4b:s13+s3] =	stream.linear.scatter [tilespmem:s31], [sflag:$0x10], $0x2000, $0x38;
	[tilespmem:$0x16400] =	vst v63  }
0x97: {  	s2 =	smov.u32 s14;
	_ =	swait.ge [sflag:s5], $0x2000  }
0x98: {  	s2 =	sshra.s32 s2, $0x2;
	[sflag:s5] =	ssyncset.done $0x0  }
0x99: {  	s13 =	sadd.s32 $0x400, s2;
	[sflag:s5] =	ssyncadd.s32 $0xFFFFE000  }
0x9a: {  	[tilespmem:s17], [sflag:$0x1] =	stream.indirect.gather [hbm4b:s4+s16], $0x40, s13, s16, $0xb8;
	[tilespmem:$0x16400] =	vst v63  }
0x9b: {  	_ =	swait.ge [sflag:s6], $0x2000  }
0x9c: {  	[sflag:s6] =	ssyncset.done $0x0  }
0x9d: {  	s13 =	sadd.s32 $0x480, s2;
	[sflag:s6] =	ssyncadd.s32 $0xFFFFE000  }
0x9e: {  	[tilespmem:s18], [sflag:$0x2] =	stream.indirect.gather [hbm4b:s4+s16], $0x40, s13, s16, $0xb8;
	[tilespmem:$0x16400] =	vst v63  }
0x9f: {  	_ =	swait.ge [sflag:s7], $0x2000  }
0xa0: {  	[sflag:s7] =	ssyncset.done $0x0  }
0xa1: {  	s13 =	sadd.s32 $0x500, s2;
	[sflag:s7] =	ssyncadd.s32 $0xFFFFE000  }
0xa2: {  	[tilespmem:s20], [sflag:$0x3] =	stream.indirect.gather [hbm4b:s4+s16], $0x40, s13, s16, $0xb8;
	[tilespmem:$0x16400] =	vst v63  }
0xa3: {  	_ =	swait.ge [sflag:s8], $0x2000  }
0xa4: {  	[sflag:s8] =	ssyncset.done $0x0  }
0xa5: {  	s13 =	sadd.s32 $0x580, s2;
	[sflag:s8] =	ssyncadd.s32 $0xFFFFE000  }
0xa6: {  	[tilespmem:s22], [sflag:$0x4] =	stream.indirect.gather [hbm4b:s4+s16], $0x40, s13, s16, $0xb8;
	[tilespmem:$0x16400] =	vst v63  }
0xa7: {  	_ =	swait.ge [sflag:s9], $0x2000  }
0xa8: {  	[sflag:s9] =	ssyncset.done $0x0  }
0xa9: {  	s13 =	sadd.s32 $0x600, s2;
	[sflag:s9] =	ssyncadd.s32 $0xFFFFE000  }
0xaa: {  	[tilespmem:s24], [sflag:$0x5] =	stream.indirect.gather [hbm4b:s4+s16], $0x40, s13, s16, $0xb8;
	[tilespmem:$0x16400] =	vst v63  }
0xab: {  	_ =	swait.ge [sflag:s10], $0x2000  }
0xac: {  	[sflag:s10] =	ssyncset.done $0x0  }
0xad: {  	s13 =	sadd.s32 $0x680, s2;
	[sflag:s10] =	ssyncadd.s32 $0xFFFFE000  }
0xae: {  	[tilespmem:s26], [sflag:$0x6] =	stream.indirect.gather [hbm4b:s4+s16], $0x40, s13, s16, $0xb8;
	[tilespmem:$0x16400] =	vst v63  }
0xaf: {  	_ =	swait.ge [sflag:s11], $0x2000  }
0xb0: {  	p0 =	sne.s32 s14, $0x17000;
	[sflag:s11] =	ssyncset.done $0x0  }
.Ltmp0:
0xb1: {  	s13 =	sadd.s32 $0x700, s2;
	[sflag:s11] =	ssyncadd.s32 $0xFFFFE000;
	(pc) =	sbr.rel @p0 .LBB2_2-.Ltmp0, $4  }
0xb2: {  	[tilespmem:s29], [sflag:$0x7] =	stream.indirect.gather [hbm4b:s4+s16], $0x40, s13, s16, $0xb8;
	[tilespmem:$0x16400] =	vst v63  }
0xb3: {  	_ =	swait.ge [sflag:s12], $0x2000  }
0xb4: {  	s14 =	sadd.s32 $0x1000, s14;
	[sflag:s12] =	ssyncset.done $0x0  }
0xb5: {  	s15 =	sadd.s32 $0x2000, s15;
	s2 =	sadd.s32 $0x780, s2;
	[sflag:s12] =	ssyncadd.s32 $0xFFFFE000  }
0xb6: {  	[tilespmem:s31], [sflag:$0x8] =	stream.indirect.gather [hbm4b:s4+s16], $0x40, s2, s16, $0xb8;
	[tilespmem:$0x16400] =	vst v63  }
0xb7: {  	_ =	swait.ge [sflag:s1], $0x2000  }
0xb8: {  	[sflag:s1] =	ssyncset.done $0x0  }
0xb9: {  	s13 =	rddreg [dreg:$0xc];
	[sflag:s1] =	ssyncadd.s32 $0xFFFFE000  }
0xba: {  	[hbm4b:s13+s3] =	stream.linear.scatter [tilespmem:s17], [sflag:$0x9], $0x2000, $0x38;
	[tilespmem:$0x16400] =	vst v63  }
0xbb: {  	_ =	swait.ge [sflag:s0], $0x2000  }
0xbc: {  	[sflag:s0] =	ssyncset.done $0x0  }
0xbd: {  	s14 =	rddreg [dreg:$0xd];
	[sflag:s0] =	ssyncadd.s32 $0xFFFFE000  }
0xbe: {  	[hbm4b:s14+s3] =	stream.linear.scatter [tilespmem:s18], [sflag:$0xA], $0x2000, $0x38;
	[tilespmem:$0x16400] =	vst v63  }
0xbf: {  	_ =	swait.ge [sflag:s19], $0x2000  }
0xc0: {  	[sflag:s19] =	ssyncset.done $0x0  }
0xc1: {  	s15 =	rddreg [dreg:$0xe];
	[sflag:s19] =	ssyncadd.s32 $0xFFFFE000  }
0xc2: {  	[hbm4b:s15+s3] =	stream.linear.scatter [tilespmem:s20], [sflag:$0xB], $0x2000, $0x38;
	[tilespmem:$0x16400] =	vst v63  }
0xc3: {  	_ =	swait.ge [sflag:s21], $0x2000  }
0xc4: {  	[sflag:s21] =	ssyncset.done $0x0  }
0xc5: {  	s13 =	rddreg [dreg:$0xf];
	[sflag:s21] =	ssyncadd.s32 $0xFFFFE000  }
0xc6: {  	[hbm4b:s13+s3] =	stream.linear.scatter [tilespmem:s22], [sflag:$0xC], $0x2000, $0x38;
	[tilespmem:$0x16400] =	vst v63  }
0xc7: {  	_ =	swait.ge [sflag:s23], $0x2000  }
0xc8: {  	[sflag:s23] =	ssyncset.done $0x0  }
0xc9: {  	s14 =	rddreg [dreg:$0x10];
	[sflag:s23] =	ssyncadd.s32 $0xFFFFE000  }
0xca: {  	[hbm4b:s14+s3] =	stream.linear.scatter [tilespmem:s24], [sflag:$0xD], $0x2000, $0x38;
	[tilespmem:$0x16400] =	vst v63  }
0xcb: {  	_ =	swait.ge [sflag:s25], $0x2000  }
0xcc: {  	[sflag:s25] =	ssyncset.done $0x0  }
0xcd: {  	s15 =	rddreg [dreg:$0x11];
	[sflag:s25] =	ssyncadd.s32 $0xFFFFE000  }
0xce: {  	[hbm4b:s15+s3] =	stream.linear.scatter [tilespmem:s26], [sflag:$0xE], $0x2000, $0x38;
	[tilespmem:$0x16400] =	vst v63  }
0xcf: {  	_ =	swait.ge [sflag:s28], $0x2000  }
0xd0: {  	[sflag:s28] =	ssyncset.done $0x0  }
0xd1: {  	s13 =	rddreg [dreg:$0x12];
	[sflag:s28] =	ssyncadd.s32 $0xFFFFE000  }
0xd2: {  	[hbm4b:s13+s3] =	stream.linear.scatter [tilespmem:s29], [sflag:$0xF], $0x2000, $0x38;
	[tilespmem:$0x16400] =	vst v63  }
0xd3: {  	_ =	swait.ge [sflag:s30], $0x2000  }
0xd4: {  	[sflag:s30] =	ssyncset.done $0x0  }
0xd5: {  	s14 =	rddreg [dreg:$0x13];
	[sflag:s30] =	ssyncadd.s32 $0xFFFFE000  }
0xd6: {  	[hbm4b:s14+s3] =	stream.linear.scatter [tilespmem:s31], [sflag:$0x10], $0x2000, $0x38;
	[tilespmem:$0x16400] =	vst v63  }
0xd7: {  	_ =	swait.ge [sflag:s5], $0x2000  }
0xd8: {  	[sflag:s5] =	ssyncset.done $0x0  }
0xd9: {  	[sflag:s5] =	ssyncadd.s32 $0xFFFFE000  }
0xda: {  	_ =	swait.ge [sflag:s6], $0x2000  }
0xdb: {  	[sflag:s6] =	ssyncset.done $0x0  }
0xdc: {  	[sflag:s6] =	ssyncadd.s32 $0xFFFFE000  }
0xdd: {  	_ =	swait.ge [sflag:s7], $0x2000  }
0xde: {  	[sflag:s7] =	ssyncset.done $0x0  }
0xdf: {  	[sflag:s7] =	ssyncadd.s32 $0xFFFFE000  }
0xe0: {  	_ =	swait.ge [sflag:s8], $0x2000  }
0xe1: {  	[sflag:s8] =	ssyncset.done $0x0  }
0xe2: {  	[sflag:s8] =	ssyncadd.s32 $0xFFFFE000  }
0xe3: {  	_ =	swait.ge [sflag:s9], $0x2000  }
0xe4: {  	[sflag:s9] =	ssyncset.done $0x0  }
0xe5: {  	[sflag:s9] =	ssyncadd.s32 $0xFFFFE000  }
0xe6: {  	_ =	swait.ge [sflag:s10], $0x2000  }
0xe7: {  	[sflag:s10] =	ssyncset.done $0x0  }
0xe8: {  	[sflag:s10] =	ssyncadd.s32 $0xFFFFE000  }
0xe9: {  	_ =	swait.ge [sflag:s11], $0x2000  }
0xea: {  	[sflag:s11] =	ssyncset.done $0x0  }
0xeb: {  	[sflag:s11] =	ssyncadd.s32 $0xFFFFE000  }
0xec: {  	_ =	swait.ge [sflag:s12], $0x2000  }
0xed: {  	s13 =	rddreg [dreg:$0x15]  }
0xee: {  	s15 =	rddreg [dreg:$0x14];
	s13 =	sadd.s32 $0x1, s13  }
0xef: {  	p0 =	sne.s32 s13, s15  }
.Ltmp1:
0xf0: {  	_ = 	snop;
	(pc) =	sbr.rel @p0 .LBB2_1-.Ltmp1, $3  }
0xf1: {  	_ =	sdelay $0x1  }
0xf2: {  	[sflag:s12] =	ssyncset.done $0x0  }
0xf3: {  	[sflag:s12] =	ssyncadd.s32 $0xFFFFE000  }
0xf4: {  	_ =	sfence.sel $0x180000  }
0xf5: {  	[bflag:$0x0] =	sbarrier.arrive $0xFFFF  }
0xf6: {  	_ =	strace $0x90000047  }
0xf7: {  	s0 =	stileid.u32;
	[bflag:$0x2] =	sbarrier.arrive $0xFFFF  }
0xf8: {  	p0 =	sne.s32 s0, $0x0;
	s0 =	rddreg [dreg:$0x2]  }
0xf9: {  	s0 =	sadd.s32 @!p0 $0x100000, s0  }
0xfa: {  	[sflag:s0] =	ssyncadd.tile.s32 @!p0 $0x1;
	_ =	shalt  }
.Lfunc_end2:
_tile_overlayer_lowered:
.L_overlay_start_2:
0xfb: {  	(tag) =	ssettag $0x2  }
0xfc: {  	s0 =	rddreg [dreg:$0x0];
	s2 =	stileid.u32  }
0xfd: {  	s1 =	rddreg [dreg:$0x1];
	p0 =	sne.s32 s2, $0x0  }
0xfe: {  	s3 =	rddreg [dreg:$0x2];
	[bflag:$0x3] =	sbarrier.arrive $0xFFFF;
	s2 =	simm.s32 @!p0 $0x1C11  }
0xff: {  	[timem:s3], [sflag:s2] =	dma.local @!p0 [hbm:s0], s1  }
0x100: {  	s0 =	simm.s32 @!p0 $0x11  }
0x101: {  	_ =	swait.ge @!p0 [sflag:s0], s1  }
0x102: {  	s1 =	ssub.s32 @!p0 $0x0, s1;
	[sflag:s0] =	ssyncset.done @!p0 $0x0  }
0x103: {  	[sflag:s0] =	ssyncadd.s32 @!p0 s1  }
0x104: {  	[bflag:$0x3] =	sbarrier.arrive $0xFFFF  }
0x105: {  	_ =	shalt  }

// kernel: sparse-core-data-format-call.cloned.1.call-start
scs
called_computation_lowered:
.L_overlay_start_0:
0x0: {  	s2 =	sld [smem:$0x3FD9]  }
0x1: {  	s3 =	sld [smem:$0x3FFE];
	_ =	sdelay $0x1  }
0x2: {  	s1 =	srdreg.scid  }
0x3: {  	s0 =	sand.u32 $0x1, s1  }
0x4: {  	s15 =	sshll.u32 s0, $0xA;
	s2 =	sadd.s32 s3, s2  }
0x5: {  	s2 =	sadd.s32 s2, s15  }
0x6: {  	[smem:$0x3FC6] =	sst s2  }
0x7: {  	_ = 	snop  }
0x8: {  	s2 =	sld [smem:$0x3FD0];
	_ =	sdelay $0x2  }
0x9: {  	s16 =	simm.s32 $0xA;
	s4 =	simm.s32 $0x10  }
0xa: {  	[smem:s4], [sflag:s16] =	dma.local [hbm:s2], $0x1  }
0xb: {  	_ =	swait.eq [sflag:s16], $0x1  }
0xc: {  	[sflag:s16] =	ssyncset.done $0x0  }
0xd: {  	[sflag:s16] =	ssyncadd.s32 $0xFFFFFFFF  }
0xe: {  	s17 =	sld [smem:$0x10];
	(tm) =	ssettm $0x1  }
0xf: {  	s18 =	sld [smem:$0x3FFB];
	_ =	sdelay $0x3  }
0x10: {  	_ =	strace s18  }
0x11: {  	s3 =	sld [smem:$0x3FFC];
	_ =	sdelay $0x3  }
0x12: {  	_ =	strace s3  }
0x13: {  	s3 =	sld [smem:$0x3FFD];
	_ =	sdelay $0x3  }
0x14: {  	_ =	strace s3  }
0x15: {  	_ =	strace $0x8FFFFFFF  }
0x16: {  	s19 =	sld [smem:$0x3FDB];
	_ =	sdelay $0x1  }
0x17: {  	s20 =	simm.s32 $_scs_section_size  }
0x18: {  	s5 =	simm.s32 $_size__tile_overlayer_lowered;
	s6 =	simm.s32 $_tile_overlayer_lowered  }
0x19: {  	s23 =	simm.s32 $0x1BFF;
	s22 =	sshll.u32 s6, $0x1;
	s3 =	sadd.s32 s20, s19  }
0x1a: {  	s7 =	simm.s32 $0x0;
	s21 =	sshll.u32 s5, $0x1;
	s5 =	sadd.s32 s22, s3  }
0x1b: {  	[timem:s7], [sflag:s23] =	dma.local [hbm:s5], s21  }
0x1c: {  	_ =	swait.ge [sflag:s23], s21  }
0x1d: {  	s4 =	ssub.s32 $0x0, s21;
	[sflag:s23] =	ssyncset.done $0x0  }
0x1e: {  	[sflag:s23] =	ssyncadd.s32 s4;
	_ =	sdelay $0x1  }
0x1f: {  	s24 =	simm.s32 $0x1B8B  }
0x20: {  	_ =	swait.ge [sflag:s24], $0x1  }
0x21: {  	[sflag:s24] =	ssyncset.done $0x0  }
0x22: {  	s26 =	simm.s32 $0x1B8E;
	s25 =	sld [smem:$0x3FFE];
	[sflag:s24] =	ssyncadd.s32 $0xFFFFFFFF  }
0x23: {  	s27 =	simm.s32 $execute0_lowered;
	[smem:$0x3FD2] =	sst s26  }
0x24: {  	s5 =	sshll.u32 s27, $0x1;
	_ =	strace $0x80000049;
	[dreg:$0x1] =	wrdreg $0xFFFFFFFF  }
0x25: {  	s28 =	simm.s32 $_size_execute0_lowered;
	s3 =	sadd.s32 s3, s5;
	[dreg:$0x0] =	wrdreg $0x0  }
0x26: {  	s5 =	sshll.u32 s28, $0x1;
	[dreg:$0x2] =	wrdreg s3  }
0x27: {  	[dreg:$0x3] =	wrdreg s5  }
0x28: {  	[dreg:$0x4] =	wrdreg $0xC0  }
0x29: {  	_ =	task [dreg:s7], $0x5FFFF  }
0x2a: {  	[dreg:$0x1] =	wrdreg $0xFFFFFFFF  }
0x2b: {  	[dreg:$0x0] =	wrdreg $0x60  }
0x2c: {  	[dreg:$0x2] =	wrdreg s25  }
0x2d: {  	[dreg:$0x3] =	wrdreg s17  }
0x2e: {  	[dreg:$0x4] =	wrdreg $0x9  }
0x2f: {  	_ =	task.clear_ibuf [dreg:s7], $0x5FFFF;
	_ =	strace $0x90000049  }
0x30: {  	s29 =	simm.s32 $0x9;
	_ =	strace $0x8000004B  }
0x31: {  	_ =	swait.ge [sflag:s29], $0x1  }
0x32: {  	[sflag:s29] =	ssyncadd.s32 $0xFFFFFFFF  }
0x33: {  	_ =	strace $0x9000004B  }
0x34: {  	_ =	sfence  }
0x35: {  	s30 =	sld [smem:$0x0];
	_ =	sdelay $0x2  }
0x36: {  	s31 =	sshll.u32 s1, $0xD;
	s1 =	sshrl.u32 s1, $0x2  }
0x37: {  	s3 =	sand.u32 $0x4000, s31;
	s1 =	sadd.s32 s1, s30  }
0x38: {  	s0 =	sor.u32 s3, s0;
	s1 =	sshll.u32 s1, $0x11  }
0x39: {  	s0 =	sor.u32 s1, s0  }
0x3a: {  	s0 =	sadd.s32 $0x8F2B, s0  }
0x3b: {  	[sflag:s0] =	ssyncadd.remote.s32 $0x1  }
0x3c: {  	_ =	sfence.sel $0xFFFF  }
0x3d: {  	[dreg:$0x0] =	wrdreg $0xFFFFFFFF;
	(pc) =	sbr.abs _section_cstart, $3  }
0x3e: {  	[dreg:$0x1] =	wrdreg $0xFFFFFFFF  }
0x3f: {  	_ =	task.clear_ibuf [dreg:s7], $0x2FFFF;
	_ =	strace $0x9FFFFFFF  }
0x40: {  	(tm) =	ssettm $0x7FFFFFFF  }
0x41: {  	_ =	shalt  }
tec
execute0_lowered:
.L_overlay_start_1:
0x0: {  	(tag) =	ssettag $0x1  }
0x1: {  	s0 =	srdreg.scid  }
0x2: {  	s1 =	sshll.u32 s0, $0x4  }
0x3: {  	s0 =	stileid.u32;
	s1 =	sand.u32 $0x10, s1  }
0x4: {  	s1 =	sor.u32 s0, s1  }
0x5: {  	s6 =	rddreg [dreg:$0x0];
	s4 =	simm.s32 $0x1;
	s2 =	sshll.u32 s1, $0x7  }
0x6: {  	s7 =	simm.s32 $0x2;
	s12 =	simm.s32 $0x0;
	s1 =	ssub.s32 $0x1000, s2  }
0x7: {  	s8 =	simm.s32 $0x8000;
	s13 =	simm.s32 $0x0;
	s3 =	sand.u32 $0xF80, s1  }
0x8: {  	s9 =	simm.s32 $0x0;
	s5 =	sshrl.u32 s1, $0xC;
	p0 =	sne.s32 s3, $0x0  }
.Ltmp0:
0x9: {  	s1 =	rddreg [dreg:$0x2];
	s4 =	simm.s32 @!p0 $0x0;
	(pc) =	sbr.rel .LBB1_1-.Ltmp0, $4  }
0xa: {  	s11 =	simm.s32 $0x0;
	s3 =	rddreg [dreg:$0x1];
	s5 =	sadd.s32 s4, s5  }
0xb: {  	_ =	strace $0x8000004A;
	s4 =	simm.s32 $0x1;
	s5 =	smul.u32 $0xC8, s5  }
0xc: {  	s6 =	sadd.s32 $0x20C00, s6;
	s10 =	smov.u32 s2;
	[sflag:s4] =	ssyncpa.u1 $0x0  }
0xd: {  	p0 =	por $0x0, $0x0;
	[sflag:s7] =	ssyncpa.u1 $0x0;
	s7 =	sor.u32 $0x1, s5  }
.LBB1_4:
0xe: {  	s16 =	sshll.u32 s13, $0x3;
	s17 =	sand.u32 $0x78, s13  }
0xf: {  	s30 =	sand.u32 $0x7E00, s13;
	s12 =	sshll.u32 s12, $0xF;
	s16 =	sand.u32 $0xC00, s16  }
0x10: {  	[tilespmem:s15+$0x810 ss:$0x81] =	vst.msk $0xffff, v2;
	s31 =	sand.u32 $0x7, s13;
	s16 =	sor.u32 s17, s16;
	s17 =	sadd.s32 s3, s30  }
0x11: {  	[tilespmem:s15+$0x1020 ss:$0x81] =	vst.msk $0xffff, v0;
	s13 =	sshll.u32 s31, $0x12;
	s12 =	sadd.s32 s12, s17;
	s16 =	sshrl.u32 s16, $0x3  }
0x12: {  	[tilespmem:s15+$0x0 ss:$0x81] =	vst.msk $0xffff, v1;
	s13 =	sor.u32 $0x400, s13;
	s12 =	sadd.s32 s16, s12  }
0x13: {  	[hbm4b:s12+s13] =	stream.strided.scatter [tilespmem:s14], [sflag:$0x2], $0x2000, s8, s13, $0x20;
	[tilespmem:$0x8080] =	vst v63  }
.LBB1_5:
0x14: {  	s14 =	sadd.s32 $0x1, s9  }
0x15: {  	s12 =	sadd.s32 $0x1000, s10;
	s16 =	smov.u32 s10;
	p2 =	sgt.s32 s14, $0xC7  }
0x16: {  	s16 =	smov.u32 @p2 s12  }
0x17: {  	s14 =	simm.s32 @p2 $0x0;
	p2 =	sgt.s32 s16, $0xFFF  }
0x18: {  	s16 =	smov.u32 @p2 s2;
	p2 =	sne.s32 s11, s7  }
.Ltmp1:
0x19: {  	p1 =	slt.u32 s11, $0x2;
	(pc) =	sbr.rel @!p2 .LBB1_6-.Ltmp1, $4  }
0x1a: {  	s15 =	simm.s32 @!p1 $0x2  }
0x1b: {  	s13 =	smov.u32 s10;
	p0 =	por !p0, !p0;
	_ =	swait.ge @!p1 [sflag:s15], $0x2000  }
0x1c: {  	s12 =	smov.u32 s9;
	[sflag:s15] =	ssyncset.done @!p1 $0x0;
	s9 =	smov.u32 s14  }
0x1d: {  	s11 =	sadd.s32 $0x1, s11;
	[sflag:s15] =	ssyncadd.s32 @!p1 $0xFFFFE000;
	s10 =	smov.u32 s16  }
.LBB1_1:
0x1e: {  	p1 =	sge.u32 s11, s5  }
0x1f: {  	s14 =	sand.u32 @!p1 $0x1FFFFFF, s9  }
0x20: {  	s15 =	smulhi.u32 @!p1 $0x147AE15, s14;
	_ =	sdelay $0x1  }
0x21: {  	s15 =	smul.u32 @!p1 $0xC8, s15  }
0x22: {  	s16 =	sxor.u32 @!p1 $0xFFFFFFFF, s11;
	s17 =	smul.u32 @!p1 $0xC80, s10  }
0x23: {  	s31 =	sadd.s32 $0xFFFFFFFF, s11;
	s16 =	sshll.u32 @!p1 s16, $0xD;
	s14 =	ssub.s32 @!p1 s14, s15  }
0x24: {  	s15 =	sand.u32 @!p1 $0x2000, s16;
	s16 =	sadd.s32 @!p1 s6, s17;
	s14 =	sshll.u32 @!p1 s14, $0x4  }
0x25: {  	s17 =	simm.s32 @!p1 $0x6400;
	s14 =	sadd.s32 @!p1 s14, s16;
	s16 =	simm.s32 @!p1 $0x40  }
0x26: {  	[tilespmem:s15], [sflag:$0x1] =	stream.strided.gather @!p1 [hbm4b:s14+s16], $0x2000, s17, s16, $0x38;
	[tilespmem:$0x8080] =	vst v63  }
0x27: {  	p1 =	sge.u32 s31, s5  }
.Ltmp2:
0x28: {  	_ = 	snop;
	(pc) =	sbr.rel @p1 .LBB1_5-.Ltmp2, $1  }
0x29: {  	_ =	sdelay $0x3  }
0x2a: {  	s14 =	simm.s32 $0x1  }
0x2b: {  	_ =	swait.ge [sflag:s4], $0x2000;
	s14 =	simm.s32 @!p0 $0x0  }
0x2c: {  	[sflag:s4] =	ssyncset.done $0x0;
	s15 =	sshll.u32 s14, $0xD  }
0x2d: {  	[sflag:s4] =	ssyncadd.s32 $0xFFFFE000;
	s18 =	sor.u32 $0x20, s15  }
0x2e: {  	s14 =	smul.u32 $0x8100, s14;
	v3 =	vld [tilespmem:s18+$0x10]  }
0x2f: {  	s30 =	sand.u32 $0x1, s11;
	v2 =	vld [tilespmem:s18+$0xFFFFFFF0]  }
0x30: {  	s15 =	smul.u32 $0x8100, s30;
	s14 =	sshrl.u32 s14, $0x2;
	v0 =	vld [tilespmem:s18+$0x0]  }
0x31: {  	v1 =	vld [tilespmem:s18+$0xFFFFFFE0];
	s16 =	sor.u32 $0x4000, s14  }
0x32: {  	s31 =	sshrl.u32 s15, $0x2;
	s15 =	sadd.s32 $0x0, s16  }
0x33: {  	s17 =	simm.s32 $0x4;
	s18 =	sadd.s32 $0x40, s18;
	s14 =	sor.u32 $0x4000, s31;
	[tilespmem:s15+$0x1830 ss:$0x81] =	vst.msk $0xffff, v3  }
.LBB1_3:
0x34: {  	v3 =	vld [tilespmem:s18+$0x10];
	p1 =	sne.s32 s17, $0x1FC;
	[tilespmem:s15+$0x810 ss:$0x81] =	vst.msk $0xffff, v2;
	s19 =	smov.u32 s17;
	s17 =	sadd.s32 $0x4, s17  }
.Ltmp3:
0x35: {  	v2 =	vld [tilespmem:s18+$0xFFFFFFF0];
	[tilespmem:s15+$0x1020 ss:$0x81] =	vst.msk $0xffff, v0;
	(pc) =	sbr.rel @p1 .LBB1_3-.Ltmp3, $4  }
0x36: {  	v0 =	vld [tilespmem:s18+$0x0];
	[tilespmem:s15+$0x0 ss:$0x81] =	vst.msk $0xffff, v1  }
0x37: {  	s15 =	sshra.s32 s19, $0x2;
	v1 =	vld [tilespmem:s18+$0xFFFFFFE0]  }
0x38: {  	s15 =	sadd.s32 s15, s16  }
0x39: {  	s18 =	sadd.s32 $0x40, s18;
	[tilespmem:s15+$0x1830 ss:$0x81] =	vst.msk $0xffff, v3  }
.Ltmp4:
0x3a: {  	_ = 	snop;
	(pc) =	sbr.rel .LBB1_4-.Ltmp4, $1  }
0x3b: {  	_ =	sdelay $0x3  }
.LBB1_6:
0x3c: {  	_ =	sfence.sel $0x180000  }
0x3d: {  	s2 =	simm.s32 $0x1;
	[bflag:$0x0] =	sbarrier.arrive $0xFFFF  }
0x3e: {  	s31 =	simm.s32 $0x2;
	[sflag:s2] =	ssyncpa.u1 $0x1  }
0x3f: {  	[sflag:s31] =	ssyncpa.u1 $0x1  }
0x40: {  	p0 =	sne.s32 s0, $0x0;
	_ =	strace $0x9000004A  }
0x41: {  	s0 =	sadd.s32 @!p0 $0x100000, s1;
	[bflag:$0x2] =	sbarrier.arrive $0xFFFF  }
0x42: {  	[sflag:s0] =	ssyncadd.tile.s32 @!p0 $0x1;
	_ =	shalt  }
.Lfunc_end1:
_tile_overlayer_lowered:
.L_overlay_start_2:
0x43: {  	(tag) =	ssettag $0x2  }
0x44: {  	s0 =	rddreg [dreg:$0x0];
	s2 =	stileid.u32  }
0x45: {  	s1 =	rddreg [dreg:$0x1];
	p0 =	sne.s32 s2, $0x0  }
0x46: {  	s3 =	rddreg [dreg:$0x2];
	[bflag:$0x3] =	sbarrier.arrive $0xFFFF;
	s2 =	simm.s32 @!p0 $0x1C01  }
0x47: {  	[timem:s3], [sflag:s2] =	dma.local @!p0 [hbm:s0], s1  }
0x48: {  	s0 =	simm.s32 @!p0 $0x1  }
0x49: {  	_ =	swait.ge @!p0 [sflag:s0], s1  }
0x4a: {  	s1 =	ssub.s32 @!p0 $0x0, s1;
	[sflag:s0] =	ssyncset.done @!p0 $0x0  }
0x4b: {  	[sflag:s0] =	ssyncadd.s32 @!p0 s1  }
0x4c: {  	[bflag:$0x3] =	sbarrier.arrive $0xFFFF  }
0x4d: {  	_ =	shalt  }

</sc_bundles>
